<compile_context>
chip_gen: v7x
topology: tpu7x:2x2x1
jax: 0.10.2.dev20260603
libtpu: 0.0.44.dev20260713+nightly
codegen_flags: <defaults>
</compile_context>

<pallas_src>
import functools

import jax
import jax.numpy as jnp
from jax import lax
from jax.experimental import pallas as pl
from jax.experimental.pallas import tpu as pltpu
from jax.experimental.pallas import tpu_sc as plsc

NC = 2
NS = 16
L = 16
CHUNK = 128


def _sc_propagate(x, src, dst, ew, zrows):
    N, D = x.shape
    E = src.shape[0]
    NW = NC * NS
    EW = E // NW
    nchunk = EW // CHUNK
    assert E % NW == 0 and EW % CHUNK == 0 and D % L == 0
    assert nchunk % 2 == 0
    zn = zrows.shape[0]
    zlast = N - (NS - 1) * zn
    assert 0 < zlast <= zn and zn % 8 == 0 and zlast % 8 == 0

    mesh = plsc.VectorSubcoreMesh(
        core_axis_name="c", subcore_axis_name="s",
        num_cores=NC, num_subcores=NS)

    @functools.partial(
        pl.kernel,
        out_type=jax.ShapeDtypeStruct((NC, N, D), jnp.float32),
        mesh=mesh,
        compiler_params=pltpu.CompilerParams(needs_layout_passes=False),
        scratch_types=[
            pltpu.VMEM_SHARED((N, D), jnp.float32),
            pltpu.VMEM((CHUNK,), jnp.int32),
            pltpu.VMEM((CHUNK,), jnp.int32),
            pltpu.VMEM((CHUNK,), jnp.int32),
            pltpu.VMEM((CHUNK,), jnp.int32),
            pltpu.VMEM((CHUNK,), jnp.float32),
            pltpu.VMEM((CHUNK,), jnp.float32),
            pltpu.VMEM((CHUNK, D), jnp.float32),
            pltpu.VMEM((CHUNK, D), jnp.float32),
            pltpu.SemaphoreType.DMA,
            pltpu.SemaphoreType.DMA,
            pltpu.SemaphoreType.DMA,
            pltpu.SemaphoreType.DMA,
        ],
    )
    def kern(x_hbm, src_hbm, dst_hbm, ew_hbm, z_hbm, out_hbm,
             agg, sidx0, sidx1, didx0, didx1, wch0, wch1, rows0, rows1,
             semi0, semi1, semg0, semg1):
        c = lax.axis_index("c")
        s = lax.axis_index("s")
        wid = c * NS + s
        base = wid * EW

        sidx = (sidx0, sidx1)
        didx = (didx0, didx1)
        wch = (wch0, wch1)
        rows = (rows0, rows1)
        semi = (semi0, semi1)
        semg = (semg0, semg1)

        @pl.when(s < NS - 1)
        def _():
            pltpu.sync_copy(z_hbm, agg.at[pl.ds(s * zn, zn)])

        @pl.when(s == NS - 1)
        def _():
            pltpu.sync_copy(z_hbm.at[pl.ds(0, zlast)],
                            agg.at[pl.ds((NS - 1) * zn, zlast)])

        plsc.subcore_barrier()

        def idx_start(ci, b):
            off = base + ci * CHUNK
            pltpu.async_copy(src_hbm.at[pl.ds(off, CHUNK)], sidx[b], semi[b])
            pltpu.async_copy(dst_hbm.at[pl.ds(off, CHUNK)], didx[b], semi[b])
            pltpu.async_copy(ew_hbm.at[pl.ds(off, CHUNK)], wch[b], semi[b])

        def idx_wait(b):
            pltpu.make_async_copy(src_hbm.at[pl.ds(0, CHUNK)], sidx[b],
                                  semi[b]).wait()
            pltpu.make_async_copy(dst_hbm.at[pl.ds(0, CHUNK)], didx[b],
                                  semi[b]).wait()
            pltpu.make_async_copy(ew_hbm.at[pl.ds(0, CHUNK)], wch[b],
                                  semi[b]).wait()

        def gather_start(b):
            pltpu.make_async_copy(x_hbm.at[sidx[b]], rows[b], semg[b]).start()

        def gather_wait(b):
            pltpu.make_async_copy(x_hbm.at[sidx[b]], rows[b], semg[b]).wait()

        def process(b):
            @pl.loop(0, CHUNK)
            def _scale(r):
                wv = plsc.load_gather(wch[b], [jnp.full((L,), r, jnp.int32)])
                row = rows[b].at[r]
                for k in range(D // L):
                    sl = pl.ds(k * L, L)
                    row[sl] = row[sl] * wv

            pltpu.sync_copy(rows[b], agg.at[didx[b]], add=True)

        idx_start(0, 0)
        idx_start(1, 1)
        idx_wait(0)
        gather_start(0)

        @pl.loop(0, nchunk // 2)
        def _main(i):
            c0 = 2 * i
            last = i == nchunk // 2 - 1
            idx_wait(1)
            gather_start(1)
            gather_wait(0)
            process(0)

            @pl.when(jnp.logical_not(last))
            def _():
                idx_start(c0 + 2, 0)

            gather_wait(1)

            @pl.when(jnp.logical_not(last))
            def _():
                idx_wait(0)
                gather_start(0)

            process(1)

            @pl.when(jnp.logical_not(last))
            def _():
                idx_start(c0 + 3, 1)

        plsc.subcore_barrier()

        @pl.when(s < NS - 1)
        def _():
            pltpu.sync_copy(agg.at[pl.ds(s * zn, zn)],
                            out_hbm.at[c, pl.ds(s * zn, zn)])

        @pl.when(s == NS - 1)
        def _():
            pltpu.sync_copy(agg.at[pl.ds((NS - 1) * zn, zlast)],
                            out_hbm.at[c, pl.ds((NS - 1) * zn, zlast)])

    return kern(x, src, dst, ew, zrows)


def _tc_linear(partials, wt, b2):
    _, n, d = partials.shape
    bn = 1000
    assert n % bn == 0

    def body(p_ref, w_ref, b_ref, o_ref):
        acc = p_ref[0] + p_ref[1]
        o_ref[...] = jnp.dot(acc, w_ref[...],
                             preferred_element_type=jnp.float32) + b_ref[...]

    return pl.pallas_call(
        body,
        grid=(n // bn,),
        in_specs=[
            pl.BlockSpec((NC, bn, d), lambda i: (0, i, 0)),
            pl.BlockSpec((d, d), lambda i: (0, 0)),
            pl.BlockSpec((1, d), lambda i: (0, 0)),
        ],
        out_specs=pl.BlockSpec((bn, d), lambda i: (i, 0)),
        out_shape=jax.ShapeDtypeStruct((n, d), jnp.float32),
    )(partials, wt, b2)


def kernel(x, edge_index, edge_weight, vertex_cnt, rule_cnt, W, b):
    x = x.astype(jnp.float32)
    src = edge_index[0].astype(jnp.int32)
    dst = edge_index[1].astype(jnp.int32)
    ew = edge_weight.astype(jnp.float32)

    e = src.shape[0]
    unit = 2 * CHUNK * NC * NS
    ep = ((e + unit - 1) // unit) * unit
    pad = ep - e
    if pad:
        src = jnp.concatenate([src, jnp.zeros((pad,), jnp.int32)])
        dst = jnp.concatenate([dst, jnp.zeros((pad,), jnp.int32)])
        ew = jnp.concatenate([ew, jnp.zeros((pad,), jnp.float32)])

    n = x.shape[0]
    zn = ((n // NS + 7) // 8) * 8
    zrows = jnp.zeros((zn, x.shape[1]), jnp.float32)

    partials = _sc_propagate(x, src, dst, ew, zrows)
    return _tc_linear(partials, W.T.astype(jnp.float32),
                      b.reshape(1, -1).astype(jnp.float32))

# --- scband reference (transcript-rebuilt; emitter-appended) ---
"""Pipeline reference for scband-gnnlayer-7361573945709 (READ-ONLY COPY).

The authoritative reference and input builder live on the scoring server;
editing this copy changes nothing except your own understanding.
"""

import jax, jax.numpy as jnp
import numpy as np

N = 10000
E = 320000
D_IN = 128
D_OUT = 128


def setup_inputs(seed: int = 0) -> dict:
    key = jax.random.key(seed)
    k1, k2, k3, k4, k5 = jax.random.split(key, 5)
    x = jax.random.normal(k1, (N, D_IN), dtype=jnp.float32)
    edge_index = jax.random.randint(k2, (2, E), 0, N)
    edge_weight = jax.random.uniform(k3, (E,), dtype=jnp.float32)
    # Linear layer params (torch.nn.Linear(in_features=128, out_features=128, bias=True))
    bound = 1.0 / np.sqrt(D_IN)
    W = jax.random.uniform(k4, (D_OUT, D_IN), dtype=jnp.float32, minval=-bound, maxval=bound)
    b = jax.random.uniform(k5, (D_OUT,), dtype=jnp.float32, minval=-bound, maxval=bound)
    return {
        "x": x,
        "edge_index": edge_index,
        "edge_weight": edge_weight,
        "vertex_cnt": N,
        "rule_cnt": 0,
        "W": W,
        "b": b,
    }


def reference(x, edge_index, edge_weight, vertex_cnt, rule_cnt, W, b):
    # KPropagate: weighted message passing with sum aggregation.
    # For each edge (src, dst): out[dst] += edge_weight * x[src]
    src = edge_index[0]
    dst = edge_index[1]
    msgs = jnp.take(x, src, axis=0)  # gather [E, D]
    msgs = msgs * edge_weight[:, None]
    agg = jax.ops.segment_sum(msgs, dst % vertex_cnt, num_segments=x.shape[0])  # scatter-add [N, D]
    # Linear: y = agg @ W.T + b
    out = agg @ W.T + b
    return out

if __name__ == "__main__":
    import jax
    _d = setup_inputs()
    print(jax.jit(kernel)(*tuple(_d.values())))

</pallas_src>

<mosaic_0001>
#map = affine_map<(d0, d1) -> (0, 0)>
#map1 = affine_map<(d0, d1) -> (0)>
#map2 = affine_map<(d0, d1) -> (0, 0, 0)>
module attributes {stable_mosaic.version = 14 : i64} {
  func.func @kern(%arg0: i32, %arg1: i32, %arg2: memref<10000x128xf32, #tpu.memory_space<hbm>>, %arg3: memref<327680xi32, #tpu.memory_space<hbm>>, %arg4: memref<327680xi32, #tpu.memory_space<hbm>>, %arg5: memref<327680xf32, #tpu.memory_space<hbm>>, %arg6: memref<632x128xf32, #tpu.memory_space<hbm>>, %arg7: memref<2x10000x128xf32, #tpu.memory_space<hbm>>, %arg8: memref<10000x128xf32, #tpu.memory_space<vmem_shared>>, %arg9: memref<128xi32, #tpu.memory_space<vmem>>, %arg10: memref<128xi32, #tpu.memory_space<vmem>>, %arg11: memref<128xi32, #tpu.memory_space<vmem>>, %arg12: memref<128xi32, #tpu.memory_space<vmem>>, %arg13: memref<128xf32, #tpu.memory_space<vmem>>, %arg14: memref<128xf32, #tpu.memory_space<vmem>>, %arg15: memref<128x128xf32, #tpu.memory_space<vmem>>, %arg16: memref<128x128xf32, #tpu.memory_space<vmem>>, %arg17: memref<!tpu.dma_semaphore, #tpu.memory_space<semaphore_mem>>, %arg18: memref<!tpu.dma_semaphore, #tpu.memory_space<semaphore_mem>>, %arg19: memref<!tpu.dma_semaphore, #tpu.memory_space<semaphore_mem>>, %arg20: memref<!tpu.dma_semaphore, #tpu.memory_space<semaphore_mem>>) attributes {dimension_semantics = [#tpu.dimension_semantics<core_parallel>, #tpu.dimension_semantics<subcore_parallel>], iteration_bounds = array<i64: 2, 16>, scalar_prefetch = 0 : i64, scratch_operands = 13 : i64, tpu.core_type = #tpu.core_type<sc_vector_subcore>, window_params = [{transform_indices = #map}, {transform_indices = #map1}, {transform_indices = #map1}, {transform_indices = #map1}, {transform_indices = #map}, {transform_indices = #map2}]} {
    %mul3A = arith.constant 16 : i32
    %mul3A_0 = arith.muli %arg0, %mul3A : i32
    %add3A = arith.addi %mul3A_0, %arg1 : i32
    %mul3A_1 = arith.constant 10240 : i32
    %mul3A_2 = arith.muli %add3A, %mul3A_1 : i32
    %lt3A = arith.constant 15 : i32
    %lt3A_3 = arith.cmpi slt, %arg1, %lt3A : i32
    %convert_element_type3A = arith.extui %lt3A_3 : i1 to i32
    %cond3A = arith.constant 0 : i32
    %cond3A_4 = arith.cmpi ne, %convert_element_type3A, %cond3A : i32
    scf.if %cond3A_4 {
      %mul3A_53 = arith.constant 632 : i32
      %mul3A_54 = arith.muli %arg1, %mul3A_53 : i32
      "tpu.region"() ({
        %run_scoped3A = tpu.sem_alloc : memref<!tpu.dma_semaphore, #tpu.memory_space<semaphore_mem>>
        %dma_start3A_55 = arith.constant 0 : i32
        %dma_start3A_56 = tpu.memref_slice %arg8[%mul3A_54, %dma_start3A_55] : memref<10000x128xf32, #tpu.memory_space<vmem_shared>> -> memref<632x128xf32, #tpu.memory_space<vmem_shared>>
        tpu.enqueue_dma source(%arg6 : memref<632x128xf32, #tpu.memory_space<hbm>>) target(%dma_start3A_56 : memref<632x128xf32, #tpu.memory_space<vmem_shared>>) target_semaphore(%run_scoped3A : memref<!tpu.dma_semaphore, #tpu.memory_space<semaphore_mem>>)
        %dma_wait3A_57 = arith.constant 0 : i32
        %dma_wait3A_58 = tpu.memref_slice %arg8[%mul3A_54, %dma_wait3A_57] : memref<10000x128xf32, #tpu.memory_space<vmem_shared>> -> memref<632x128xf32, #tpu.memory_space<vmem_shared>>
        tpu.wait_dma2 semaphore(%run_scoped3A : memref<!tpu.dma_semaphore, #tpu.memory_space<semaphore_mem>>) src(%arg6 : memref<632x128xf32, #tpu.memory_space<hbm>>) dst(%dma_wait3A_58 : memref<632x128xf32, #tpu.memory_space<vmem_shared>>)
        tpu.yield
      }) : () -> ()
    } else {
    }
    %eq3A = arith.constant 15 : i32
    %eq3A_5 = arith.cmpi eq, %arg1, %eq3A : i32
    %convert_element_type3A_6 = arith.extui %eq3A_5 : i1 to i32
    %cond3A_7 = arith.constant 0 : i32
    %cond3A_8 = arith.cmpi ne, %convert_element_type3A_6, %cond3A_7 : i32
    scf.if %cond3A_8 {
      "tpu.region"() ({
        %run_scoped3A = tpu.sem_alloc : memref<!tpu.dma_semaphore, #tpu.memory_space<semaphore_mem>>
        %dma_start3A_53 = arith.constant 9480 : i32
        %dma_start3A_54 = arith.constant 0 : i32
        %dma_start3A_55 = tpu.memref_slice %arg8[%dma_start3A_53, %dma_start3A_54] : memref<10000x128xf32, #tpu.memory_space<vmem_shared>> -> memref<520x128xf32, #tpu.memory_space<vmem_shared>>
        %dma_start3A_56 = arith.constant 0 : i32
        %dma_start3A_57 = arith.constant 0 : i32
        %dma_start3A_58 = tpu.memref_slice %arg6[%dma_start3A_56, %dma_start3A_57] : memref<632x128xf32, #tpu.memory_space<hbm>> -> memref<520x128xf32, #tpu.memory_space<hbm>>
        tpu.enqueue_dma source(%dma_start3A_58 : memref<520x128xf32, #tpu.memory_space<hbm>>) target(%dma_start3A_55 : memref<520x128xf32, #tpu.memory_space<vmem_shared>>) target_semaphore(%run_scoped3A : memref<!tpu.dma_semaphore, #tpu.memory_space<semaphore_mem>>)
        %dma_wait3A_59 = arith.constant 9480 : i32
        %dma_wait3A_60 = arith.constant 0 : i32
        %dma_wait3A_61 = tpu.memref_slice %arg8[%dma_wait3A_59, %dma_wait3A_60] : memref<10000x128xf32, #tpu.memory_space<vmem_shared>> -> memref<520x128xf32, #tpu.memory_space<vmem_shared>>
        %dma_wait3A_62 = arith.constant 0 : i32
        %dma_wait3A_63 = arith.constant 0 : i32
        %dma_wait3A_64 = tpu.memref_slice %arg6[%dma_wait3A_62, %dma_wait3A_63] : memref<632x128xf32, #tpu.memory_space<hbm>> -> memref<520x128xf32, #tpu.memory_space<hbm>>
        tpu.wait_dma2 semaphore(%run_scoped3A : memref<!tpu.dma_semaphore, #tpu.memory_space<semaphore_mem>>) src(%dma_wait3A_64 : memref<520x128xf32, #tpu.memory_space<hbm>>) dst(%dma_wait3A_61 : memref<520x128xf32, #tpu.memory_space<vmem_shared>>)
        tpu.yield
      }) : () -> ()
    } else {
    }
    %barrier3A = arith.constant 0 : index
    tpu.barrier barrier_id(%barrier3A)
    %add3A_9 = arith.constant 0 : i32
    %add3A_10 = arith.addi %mul3A_2, %add3A_9 : i32
    %dma_start3A = tpu.memref_slice %arg3[%add3A_10] : memref<327680xi32, #tpu.memory_space<hbm>> -> memref<128xi32, #tpu.memory_space<hbm>>
    %dma_start3A_11 = tpu.memref_slice %arg3[%add3A_10] : memref<327680xi32, #tpu.memory_space<hbm>> -> memref<128xi32, #tpu.memory_space<hbm>>
    tpu.enqueue_dma source(%dma_start3A_11 : memref<128xi32, #tpu.memory_space<hbm>>) target(%arg9 : memref<128xi32, #tpu.memory_space<vmem>>) target_semaphore(%arg17 : memref<!tpu.dma_semaphore, #tpu.memory_space<semaphore_mem>>)
    %dma_start3A_12 = tpu.memref_slice %arg4[%add3A_10] : memref<327680xi32, #tpu.memory_space<hbm>> -> memref<128xi32, #tpu.memory_space<hbm>>
    %dma_start3A_13 = tpu.memref_slice %arg4[%add3A_10] : memref<327680xi32, #tpu.memory_space<hbm>> -> memref<128xi32, #tpu.memory_space<hbm>>
    tpu.enqueue_dma source(%dma_start3A_13 : memref<128xi32, #tpu.memory_space<hbm>>) target(%arg11 : memref<128xi32, #tpu.memory_space<vmem>>) target_semaphore(%arg17 : memref<!tpu.dma_semaphore, #tpu.memory_space<semaphore_mem>>)
    %dma_start3A_14 = tpu.memref_slice %arg5[%add3A_10] : memref<327680xf32, #tpu.memory_space<hbm>> -> memref<128xf32, #tpu.memory_space<hbm>>
    %dma_start3A_15 = tpu.memref_slice %arg5[%add3A_10] : memref<327680xf32, #tpu.memory_space<hbm>> -> memref<128xf32, #tpu.memory_space<hbm>>
    tpu.enqueue_dma source(%dma_start3A_15 : memref<128xf32, #tpu.memory_space<hbm>>) target(%arg13 : memref<128xf32, #tpu.memory_space<vmem>>) target_semaphore(%arg17 : memref<!tpu.dma_semaphore, #tpu.memory_space<semaphore_mem>>)
    %add3A_16 = arith.constant 128 : i32
    %add3A_17 = arith.addi %mul3A_2, %add3A_16 : i32
    %dma_start3A_18 = tpu.memref_slice %arg3[%add3A_17] : memref<327680xi32, #tpu.memory_space<hbm>> -> memref<128xi32, #tpu.memory_space<hbm>>
    %dma_start3A_19 = tpu.memref_slice %arg3[%add3A_17] : memref<327680xi32, #tpu.memory_space<hbm>> -> memref<128xi32, #tpu.memory_space<hbm>>
    tpu.enqueue_dma source(%dma_start3A_19 : memref<128xi32, #tpu.memory_space<hbm>>) target(%arg10 : memref<128xi32, #tpu.memory_space<vmem>>) target_semaphore(%arg18 : memref<!tpu.dma_semaphore, #tpu.memory_space<semaphore_mem>>)
    %dma_start3A_20 = tpu.memref_slice %arg4[%add3A_17] : memref<327680xi32, #tpu.memory_space<hbm>> -> memref<128xi32, #tpu.memory_space<hbm>>
    %dma_start3A_21 = tpu.memref_slice %arg4[%add3A_17] : memref<327680xi32, #tpu.memory_space<hbm>> -> memref<128xi32, #tpu.memory_space<hbm>>
    tpu.enqueue_dma source(%dma_start3A_21 : memref<128xi32, #tpu.memory_space<hbm>>) target(%arg12 : memref<128xi32, #tpu.memory_space<vmem>>) target_semaphore(%arg18 : memref<!tpu.dma_semaphore, #tpu.memory_space<semaphore_mem>>)
    %dma_start3A_22 = tpu.memref_slice %arg5[%add3A_17] : memref<327680xf32, #tpu.memory_space<hbm>> -> memref<128xf32, #tpu.memory_space<hbm>>
    %dma_start3A_23 = tpu.memref_slice %arg5[%add3A_17] : memref<327680xf32, #tpu.memory_space<hbm>> -> memref<128xf32, #tpu.memory_space<hbm>>
    tpu.enqueue_dma source(%dma_start3A_23 : memref<128xf32, #tpu.memory_space<hbm>>) target(%arg14 : memref<128xf32, #tpu.memory_space<vmem>>) target_semaphore(%arg18 : memref<!tpu.dma_semaphore, #tpu.memory_space<semaphore_mem>>)
    %dma_wait3A = arith.constant 0 : i32
    %dma_wait3A_24 = tpu.memref_slice %arg3[%dma_wait3A] : memref<327680xi32, #tpu.memory_space<hbm>> -> memref<128xi32, #tpu.memory_space<hbm>>
    %dma_wait3A_25 = arith.constant 0 : i32
    %dma_wait3A_26 = tpu.memref_slice %arg3[%dma_wait3A_25] : memref<327680xi32, #tpu.memory_space<hbm>> -> memref<128xi32, #tpu.memory_space<hbm>>
    tpu.wait_dma2 semaphore(%arg17 : memref<!tpu.dma_semaphore, #tpu.memory_space<semaphore_mem>>) src(%dma_wait3A_26 : memref<128xi32, #tpu.memory_space<hbm>>) dst(%arg9 : memref<128xi32, #tpu.memory_space<vmem>>)
    %dma_wait3A_27 = arith.constant 0 : i32
    %dma_wait3A_28 = tpu.memref_slice %arg4[%dma_wait3A_27] : memref<327680xi32, #tpu.memory_space<hbm>> -> memref<128xi32, #tpu.memory_space<hbm>>
    %dma_wait3A_29 = arith.constant 0 : i32
    %dma_wait3A_30 = tpu.memref_slice %arg4[%dma_wait3A_29] : memref<327680xi32, #tpu.memory_space<hbm>> -> memref<128xi32, #tpu.memory_space<hbm>>
    tpu.wait_dma2 semaphore(%arg17 : memref<!tpu.dma_semaphore, #tpu.memory_space<semaphore_mem>>) src(%dma_wait3A_30 : memref<128xi32, #tpu.memory_space<hbm>>) dst(%arg11 : memref<128xi32, #tpu.memory_space<vmem>>)
    %dma_wait3A_31 = arith.constant 0 : i32
    %dma_wait3A_32 = tpu.memref_slice %arg5[%dma_wait3A_31] : memref<327680xf32, #tpu.memory_space<hbm>> -> memref<128xf32, #tpu.memory_space<hbm>>
    %dma_wait3A_33 = arith.constant 0 : i32
    %dma_wait3A_34 = tpu.memref_slice %arg5[%dma_wait3A_33] : memref<327680xf32, #tpu.memory_space<hbm>> -> memref<128xf32, #tpu.memory_space<hbm>>
    tpu.wait_dma2 semaphore(%arg17 : memref<!tpu.dma_semaphore, #tpu.memory_space<semaphore_mem>>) src(%dma_wait3A_34 : memref<128xf32, #tpu.memory_space<hbm>>) dst(%arg13 : memref<128xf32, #tpu.memory_space<vmem>>)
    %dma_start3A_35 = arith.constant 0 : i32
    %dma_start3A_36 = arith.constant 0 : i32
    %dma_start3A_37 = tpu.memref_slice %arg2[%dma_start3A_35, %dma_start3A_36] : memref<10000x128xf32, #tpu.memory_space<hbm>> -> memref<10000x128xf32, #tpu.memory_space<hbm>>
    tpu.enqueue_indirect_dma source(%dma_start3A_37 : memref<10000x128xf32, #tpu.memory_space<hbm>>) target(%arg15 : memref<128x128xf32, #tpu.memory_space<vmem>>) offsets(%arg9 : memref<128xi32, #tpu.memory_space<vmem>>) semaphore(%arg19 : memref<!tpu.dma_semaphore, #tpu.memory_space<semaphore_mem>>)
    %scan3A = arith.constant 0 : i32
    %scan3A_38 = arith.constant 40 : i32
    %scan3A_39 = arith.addi %scan3A, %scan3A_38 : i32
    %scan3A_40 = arith.constant 1 : i32
    scf.for %scan3A_53 = %scan3A to %scan3A_39 step %scan3A_40  : i32 {
      %mul3A_54 = arith.constant 1 : i32
      %mul3A_55 = arith.muli %scan3A_53, %mul3A_54 : i32
      %add3A_56 = arith.constant 0 : i32
      %add3A_57 = arith.addi %add3A_56, %mul3A_55 : i32
      %mul3A_58 = arith.constant 2 : i32
      %mul3A_59 = arith.muli %mul3A_58, %add3A_57 : i32
      %eq3A_60 = arith.constant 39 : i32
      %eq3A_61 = arith.cmpi eq, %add3A_57, %eq3A_60 : i32
      %dma_wait3A_62 = arith.constant 0 : i32
      %dma_wait3A_63 = tpu.memref_slice %arg3[%dma_wait3A_62] : memref<327680xi32, #tpu.memory_space<hbm>> -> memref<128xi32, #tpu.memory_space<hbm>>
      %dma_wait3A_64 = arith.constant 0 : i32
      %dma_wait3A_65 = tpu.memref_slice %arg3[%dma_wait3A_64] : memref<327680xi32, #tpu.memory_space<hbm>> -> memref<128xi32, #tpu.memory_space<hbm>>
      tpu.wait_dma2 semaphore(%arg18 : memref<!tpu.dma_semaphore, #tpu.memory_space<semaphore_mem>>) src(%dma_wait3A_65 : memref<128xi32, #tpu.memory_space<hbm>>) dst(%arg10 : memref<128xi32, #tpu.memory_space<vmem>>)
      %dma_wait3A_66 = arith.constant 0 : i32
      %dma_wait3A_67 = tpu.memref_slice %arg4[%dma_wait3A_66] : memref<327680xi32, #tpu.memory_space<hbm>> -> memref<128xi32, #tpu.memory_space<hbm>>
      %dma_wait3A_68 = arith.constant 0 : i32
      %dma_wait3A_69 = tpu.memref_slice %arg4[%dma_wait3A_68] : memref<327680xi32, #tpu.memory_space<hbm>> -> memref<128xi32, #tpu.memory_space<hbm>>
      tpu.wait_dma2 semaphore(%arg18 : memref<!tpu.dma_semaphore, #tpu.memory_space<semaphore_mem>>) src(%dma_wait3A_69 : memref<128xi32, #tpu.memory_space<hbm>>) dst(%arg12 : memref<128xi32, #tpu.memory_space<vmem>>)
      %dma_wait3A_70 = arith.constant 0 : i32
      %dma_wait3A_71 = tpu.memref_slice %arg5[%dma_wait3A_70] : memref<327680xf32, #tpu.memory_space<hbm>> -> memref<128xf32, #tpu.memory_space<hbm>>
      %dma_wait3A_72 = arith.constant 0 : i32
      %dma_wait3A_73 = tpu.memref_slice %arg5[%dma_wait3A_72] : memref<327680xf32, #tpu.memory_space<hbm>> -> memref<128xf32, #tpu.memory_space<hbm>>
      tpu.wait_dma2 semaphore(%arg18 : memref<!tpu.dma_semaphore, #tpu.memory_space<semaphore_mem>>) src(%dma_wait3A_73 : memref<128xf32, #tpu.memory_space<hbm>>) dst(%arg14 : memref<128xf32, #tpu.memory_space<vmem>>)
      %dma_start3A_74 = arith.constant 0 : i32
      %dma_start3A_75 = arith.constant 0 : i32
      %dma_start3A_76 = tpu.memref_slice %arg2[%dma_start3A_74, %dma_start3A_75] : memref<10000x128xf32, #tpu.memory_space<hbm>> -> memref<10000x128xf32, #tpu.memory_space<hbm>>
      tpu.enqueue_indirect_dma source(%dma_start3A_76 : memref<10000x128xf32, #tpu.memory_space<hbm>>) target(%arg16 : memref<128x128xf32, #tpu.memory_space<vmem>>) offsets(%arg10 : memref<128xi32, #tpu.memory_space<vmem>>) semaphore(%arg20 : memref<!tpu.dma_semaphore, #tpu.memory_space<semaphore_mem>>)
      %dma_wait3A_77 = arith.constant 0 : i32
      %dma_wait3A_78 = arith.constant 0 : i32
      %dma_wait3A_79 = tpu.memref_slice %arg2[%dma_wait3A_77, %dma_wait3A_78] : memref<10000x128xf32, #tpu.memory_space<hbm>> -> memref<10000x128xf32, #tpu.memory_space<hbm>>
      tpu.wait_indirect_dma semaphore(%arg19 : memref<!tpu.dma_semaphore, #tpu.memory_space<semaphore_mem>>) src(%dma_wait3A_79 : memref<10000x128xf32, #tpu.memory_space<hbm>>) dst(%arg15 : memref<128x128xf32, #tpu.memory_space<vmem>>)
      %scan3A_80 = arith.constant 0 : i32
      %scan3A_81 = arith.constant 128 : i32
      %scan3A_82 = arith.addi %scan3A_80, %scan3A_81 : i32
      %scan3A_83 = arith.constant 1 : i32
      scf.for %scan3A_107 = %scan3A_80 to %scan3A_82 step %scan3A_83  : i32 {
        %mul3A_108 = arith.constant 1 : i32
        %mul3A_109 = arith.muli %scan3A_107, %mul3A_108 : i32
        %add3A_110 = arith.constant 0 : i32
        %add3A_111 = arith.addi %add3A_110, %mul3A_109 : i32
        %broadcast_in_dim3A = vector.broadcast %add3A_111 : i32 to vector<16xi32>
        %gather3A = tpu.vector_load_idx %arg13[%broadcast_in_dim3A] : memref<128xf32, #tpu.memory_space<vmem>>[vector<16xi32>], vector<16xf32>,
        %get3A = arith.constant 0 : i32
        %get3A_112 = tpu.memref_slice %arg15[%add3A_111, %get3A] : memref<128x128xf32, #tpu.memory_space<vmem>> -> memref<1x128xf32, #tpu.memory_space<vmem>>
        %get3A_113 = tpu.memref_squeeze %get3A_112 : memref<1x128xf32, #tpu.memory_space<vmem>> -> memref<128xf32, #tpu.memory_space<vmem>>
        %get3A_114 = arith.constant 0 : index
        %get3A_115 = tpu.vector_load %get3A_113[%get3A_114] {strides = array<i32>} : memref<128xf32, #tpu.memory_space<vmem>>, vector<16xf32>,
        %mul3A_116 = arith.mulf %get3A_115, %gather3A : vector<16xf32>
        %swap3A = arith.constant 0 : i32
        %swap3A_117 = tpu.memref_slice %arg15[%add3A_111, %swap3A] : memref<128x128xf32, #tpu.memory_space<vmem>> -> memref<1x128xf32, #tpu.memory_space<vmem>>
        %swap3A_118 = tpu.memref_squeeze %swap3A_117 : memref<1x128xf32, #tpu.memory_space<vmem>> -> memref<128xf32, #tpu.memory_space<vmem>>
        %swap3A_119 = arith.constant 0 : index
        %swap3A_120 = tpu.vector_load %swap3A_118[%swap3A_119] {strides = array<i32>} : memref<128xf32, #tpu.memory_space<vmem>>, vector<16xf32>,
        tpu.vector_store %swap3A_118[%swap3A_119], %mul3A_116 {strides = array<i32>} : memref<128xf32, #tpu.memory_space<vmem>>, vector<16xf32>,
        %get3A_121 = arith.constant 0 : i32
        %get3A_122 = tpu.memref_slice %arg15[%add3A_111, %get3A_121] : memref<128x128xf32, #tpu.memory_space<vmem>> -> memref<1x128xf32, #tpu.memory_space<vmem>>
        %get3A_123 = tpu.memref_squeeze %get3A_122 : memref<1x128xf32, #tpu.memory_space<vmem>> -> memref<128xf32, #tpu.memory_space<vmem>>
        %get3A_124 = arith.constant 16 : index
        %get3A_125 = tpu.vector_load %get3A_123[%get3A_124] {strides = array<i32>} : memref<128xf32, #tpu.memory_space<vmem>>, vector<16xf32>,
        %mul3A_126 = arith.mulf %get3A_125, %gather3A : vector<16xf32>
        %swap3A_127 = arith.constant 0 : i32
        %swap3A_128 = tpu.memref_slice %arg15[%add3A_111, %swap3A_127] : memref<128x128xf32, #tpu.memory_space<vmem>> -> memref<1x128xf32, #tpu.memory_space<vmem>>
        %swap3A_129 = tpu.memref_squeeze %swap3A_128 : memref<1x128xf32, #tpu.memory_space<vmem>> -> memref<128xf32, #tpu.memory_space<vmem>>
        %swap3A_130 = arith.constant 16 : index
        %swap3A_131 = tpu.vector_load %swap3A_129[%swap3A_130] {strides = array<i32>} : memref<128xf32, #tpu.memory_space<vmem>>, vector<16xf32>,
        tpu.vector_store %swap3A_129[%swap3A_130], %mul3A_126 {strides = array<i32>} : memref<128xf32, #tpu.memory_space<vmem>>, vector<16xf32>,
        %get3A_132 = arith.constant 0 : i32
        %get3A_133 = tpu.memref_slice %arg15[%add3A_111, %get3A_132] : memref<128x128xf32, #tpu.memory_space<vmem>> -> memref<1x128xf32, #tpu.memory_space<vmem>>
        %get3A_134 = tpu.memref_squeeze %get3A_133 : memref<1x128xf32, #tpu.memory_space<vmem>> -> memref<128xf32, #tpu.memory_space<vmem>>
        %get3A_135 = arith.constant 32 : index
        %get3A_136 = tpu.vector_load %get3A_134[%get3A_135] {strides = array<i32>} : memref<128xf32, #tpu.memory_space<vmem>>, vector<16xf32>,
        %mul3A_137 = arith.mulf %get3A_136, %gather3A : vector<16xf32>
        %swap3A_138 = arith.constant 0 : i32
        %swap3A_139 = tpu.memref_slice %arg15[%add3A_111, %swap3A_138] : memref<128x128xf32, #tpu.memory_space<vmem>> -> memref<1x128xf32, #tpu.memory_space<vmem>>
        %swap3A_140 = tpu.memref_squeeze %swap3A_139 : memref<1x128xf32, #tpu.memory_space<vmem>> -> memref<128xf32, #tpu.memory_space<vmem>>
        %swap3A_141 = arith.constant 32 : index
        %swap3A_142 = tpu.vector_load %swap3A_140[%swap3A_141] {strides = array<i32>} : memref<128xf32, #tpu.memory_space<vmem>>, vector<16xf32>,
        tpu.vector_store %swap3A_140[%swap3A_141], %mul3A_137 {strides = array<i32>} : memref<128xf32, #tpu.memory_space<vmem>>, vector<16xf32>,
        %get3A_143 = arith.constant 0 : i32
        %get3A_144 = tpu.memref_slice %arg15[%add3A_111, %get3A_143] : memref<128x128xf32, #tpu.memory_space<vmem>> -> memref<1x128xf32, #tpu.memory_space<vmem>>
        %get3A_145 = tpu.memref_squeeze %get3A_144 : memref<1x128xf32, #tpu.memory_space<vmem>> -> memref<128xf32, #tpu.memory_space<vmem>>
        %get3A_146 = arith.constant 48 : index
        %get3A_147 = tpu.vector_load %get3A_145[%get3A_146] {strides = array<i32>} : memref<128xf32, #tpu.memory_space<vmem>>, vector<16xf32>,
        %mul3A_148 = arith.mulf %get3A_147, %gather3A : vector<16xf32>
        %swap3A_149 = arith.constant 0 : i32
        %swap3A_150 = tpu.memref_slice %arg15[%add3A_111, %swap3A_149] : memref<128x128xf32, #tpu.memory_space<vmem>> -> memref<1x128xf32, #tpu.memory_space<vmem>>
        %swap3A_151 = tpu.memref_squeeze %swap3A_150 : memref<1x128xf32, #tpu.memory_space<vmem>> -> memref<128xf32, #tpu.memory_space<vmem>>
        %swap3A_152 = arith.constant 48 : index
        %swap3A_153 = tpu.vector_load %swap3A_151[%swap3A_152] {strides = array<i32>} : memref<128xf32, #tpu.memory_space<vmem>>, vector<16xf32>,
        tpu.vector_store %swap3A_151[%swap3A_152], %mul3A_148 {strides = array<i32>} : memref<128xf32, #tpu.memory_space<vmem>>, vector<16xf32>,
        %get3A_154 = arith.constant 0 : i32
        %get3A_155 = tpu.memref_slice %arg15[%add3A_111, %get3A_154] : memref<128x128xf32, #tpu.memory_space<vmem>> -> memref<1x128xf32, #tpu.memory_space<vmem>>
        %get3A_156 = tpu.memref_squeeze %get3A_155 : memref<1x128xf32, #tpu.memory_space<vmem>> -> memref<128xf32, #tpu.memory_space<vmem>>
        %get3A_157 = arith.constant 64 : index
        %get3A_158 = tpu.vector_load %get3A_156[%get3A_157] {strides = array<i32>} : memref<128xf32, #tpu.memory_space<vmem>>, vector<16xf32>,
        %mul3A_159 = arith.mulf %get3A_158, %gather3A : vector<16xf32>
        %swap3A_160 = arith.constant 0 : i32
        %swap3A_161 = tpu.memref_slice %arg15[%add3A_111, %swap3A_160] : memref<128x128xf32, #tpu.memory_space<vmem>> -> memref<1x128xf32, #tpu.memory_space<vmem>>
        %swap3A_162 = tpu.memref_squeeze %swap3A_161 : memref<1x128xf32, #tpu.memory_space<vmem>> -> memref<128xf32, #tpu.memory_space<vmem>>
        %swap3A_163 = arith.constant 64 : index
        %swap3A_164 = tpu.vector_load %swap3A_162[%swap3A_163] {strides = array<i32>} : memref<128xf32, #tpu.memory_space<vmem>>, vector<16xf32>,
        tpu.vector_store %swap3A_162[%swap3A_163], %mul3A_159 {strides = array<i32>} : memref<128xf32, #tpu.memory_space<vmem>>, vector<16xf32>,
        %get3A_165 = arith.constant 0 : i32
        %get3A_166 = tpu.memref_slice %arg15[%add3A_111, %get3A_165] : memref<128x128xf32, #tpu.memory_space<vmem>> -> memref<1x128xf32, #tpu.memory_space<vmem>>
        %get3A_167 = tpu.memref_squeeze %get3A_166 : memref<1x128xf32, #tpu.memory_space<vmem>> -> memref<128xf32, #tpu.memory_space<vmem>>
        %get3A_168 = arith.constant 80 : index
        %get3A_169 = tpu.vector_load %get3A_167[%get3A_168] {strides = array<i32>} : memref<128xf32, #tpu.memory_space<vmem>>, vector<16xf32>,
        %mul3A_170 = arith.mulf %get3A_169, %gather3A : vector<16xf32>
        %swap3A_171 = arith.constant 0 : i32
        %swap3A_172 = tpu.memref_slice %arg15[%add3A_111, %swap3A_171] : memref<128x128xf32, #tpu.memory_space<vmem>> -> memref<1x128xf32, #tpu.memory_space<vmem>>
        %swap3A_173 = tpu.memref_squeeze %swap3A_172 : memref<1x128xf32, #tpu.memory_space<vmem>> -> memref<128xf32, #tpu.memory_space<vmem>>
        %swap3A_174 = arith.constant 80 : index
        %swap3A_175 = tpu.vector_load %swap3A_173[%swap3A_174] {strides = array<i32>} : memref<128xf32, #tpu.memory_space<vmem>>, vector<16xf32>,
        tpu.vector_store %swap3A_173[%swap3A_174], %mul3A_170 {strides = array<i32>} : memref<128xf32, #tpu.memory_space<vmem>>, vector<16xf32>,
        %get3A_176 = arith.constant 0 : i32
        %get3A_177 = tpu.memref_slice %arg15[%add3A_111, %get3A_176] : memref<128x128xf32, #tpu.memory_space<vmem>> -> memref<1x128xf32, #tpu.memory_space<vmem>>
        %get3A_178 = tpu.memref_squeeze %get3A_177 : memref<1x128xf32, #tpu.memory_space<vmem>> -> memref<128xf32, #tpu.memory_space<vmem>>
        %get3A_179 = arith.constant 96 : index
        %get3A_180 = tpu.vector_load %get3A_178[%get3A_179] {strides = array<i32>} : memref<128xf32, #tpu.memory_space<vmem>>, vector<16xf32>,
        %mul3A_181 = arith.mulf %get3A_180, %gather3A : vector<16xf32>
        %swap3A_182 = arith.constant 0 : i32
        %swap3A_183 = tpu.memref_slice %arg15[%add3A_111, %swap3A_182] : memref<128x128xf32, #tpu.memory_space<vmem>> -> memref<1x128xf32, #tpu.memory_space<vmem>>
        %swap3A_184 = tpu.memref_squeeze %swap3A_183 : memref<1x128xf32, #tpu.memory_space<vmem>> -> memref<128xf32, #tpu.memory_space<vmem>>
        %swap3A_185 = arith.constant 96 : index
        %swap3A_186 = tpu.vector_load %swap3A_184[%swap3A_185] {strides = array<i32>} : memref<128xf32, #tpu.memory_space<vmem>>, vector<16xf32>,
        tpu.vector_store %swap3A_184[%swap3A_185], %mul3A_181 {strides = array<i32>} : memref<128xf32, #tpu.memory_space<vmem>>, vector<16xf32>,
        %get3A_187 = arith.constant 0 : i32
        %get3A_188 = tpu.memref_slice %arg15[%add3A_111, %get3A_187] : memref<128x128xf32, #tpu.memory_space<vmem>> -> memref<1x128xf32, #tpu.memory_space<vmem>>
        %get3A_189 = tpu.memref_squeeze %get3A_188 : memref<1x128xf32, #tpu.memory_space<vmem>> -> memref<128xf32, #tpu.memory_space<vmem>>
        %get3A_190 = arith.constant 112 : index
        %get3A_191 = tpu.vector_load %get3A_189[%get3A_190] {strides = array<i32>} : memref<128xf32, #tpu.memory_space<vmem>>, vector<16xf32>,
        %mul3A_192 = arith.mulf %get3A_191, %gather3A : vector<16xf32>
        %swap3A_193 = arith.constant 0 : i32
        %swap3A_194 = tpu.memref_slice %arg15[%add3A_111, %swap3A_193] : memref<128x128xf32, #tpu.memory_space<vmem>> -> memref<1x128xf32, #tpu.memory_space<vmem>>
        %swap3A_195 = tpu.memref_squeeze %swap3A_194 : memref<1x128xf32, #tpu.memory_space<vmem>> -> memref<128xf32, #tpu.memory_space<vmem>>
        %swap3A_196 = arith.constant 112 : index
        %swap3A_197 = tpu.vector_load %swap3A_195[%swap3A_196] {strides = array<i32>} : memref<128xf32, #tpu.memory_space<vmem>>, vector<16xf32>,
        tpu.vector_store %swap3A_195[%swap3A_196], %mul3A_192 {strides = array<i32>} : memref<128xf32, #tpu.memory_space<vmem>>, vector<16xf32>,
      }
      %scan3A_84 = arith.constant 128 : i32
      "tpu.region"() ({
        %run_scoped3A = tpu.sem_alloc : memref<!tpu.dma_semaphore, #tpu.memory_space<semaphore_mem>>
        %dma_start3A_107 = arith.constant 0 : i32
        %dma_start3A_108 = arith.constant 0 : i32
        %dma_start3A_109 = tpu.memref_slice %arg8[%dma_start3A_107, %dma_start3A_108] : memref<10000x128xf32, #tpu.memory_space<vmem_shared>> -> memref<10000x128xf32, #tpu.memory_space<vmem_shared>>
        tpu.enqueue_indirect_dma source(%arg15 : memref<128x128xf32, #tpu.memory_space<vmem>>) target(%dma_start3A_109 : memref<10000x128xf32, #tpu.memory_space<vmem_shared>>) offsets(%arg11 : memref<128xi32, #tpu.memory_space<vmem>>) semaphore(%run_scoped3A : memref<!tpu.dma_semaphore, #tpu.memory_space<semaphore_mem>>) {add = true}
        %dma_wait3A_110 = arith.constant 0 : i32
        %dma_wait3A_111 = arith.constant 0 : i32
        %dma_wait3A_112 = tpu.memref_slice %arg8[%dma_wait3A_110, %dma_wait3A_111] : memref<10000x128xf32, #tpu.memory_space<vmem_shared>> -> memref<10000x128xf32, #tpu.memory_space<vmem_shared>>
        tpu.wait_indirect_dma semaphore(%run_scoped3A : memref<!tpu.dma_semaphore, #tpu.memory_space<semaphore_mem>>) src(%arg15 : memref<128x128xf32, #tpu.memory_space<vmem>>) dst(%dma_wait3A_112 : memref<10000x128xf32, #tpu.memory_space<vmem_shared>>)
        tpu.yield
      }) : () -> ()
      %not3A = arith.constant true
      %not3A_85 = arith.xori %eq3A_61, %not3A : i1
      %convert_element_type3A_86 = arith.extui %not3A_85 : i1 to i32
      %cond3A_87 = arith.constant 0 : i32
      %cond3A_88 = arith.cmpi ne, %convert_element_type3A_86, %cond3A_87 : i32
      scf.if %cond3A_88 {
        %add3A_107 = arith.constant 2 : i32
        %add3A_108 = arith.addi %mul3A_59, %add3A_107 : i32
        %mul3A_109 = arith.constant 128 : i32
        %mul3A_110 = arith.muli %add3A_108, %mul3A_109 : i32
        %add3A_111 = arith.addi %mul3A_2, %mul3A_110 : i32
        %dma_start3A_112 = tpu.memref_slice %arg3[%add3A_111] : memref<327680xi32, #tpu.memory_space<hbm>> -> memref<128xi32, #tpu.memory_space<hbm>>
        %dma_start3A_113 = tpu.memref_slice %arg3[%add3A_111] : memref<327680xi32, #tpu.memory_space<hbm>> -> memref<128xi32, #tpu.memory_space<hbm>>
        tpu.enqueue_dma source(%dma_start3A_113 : memref<128xi32, #tpu.memory_space<hbm>>) target(%arg9 : memref<128xi32, #tpu.memory_space<vmem>>) target_semaphore(%arg17 : memref<!tpu.dma_semaphore, #tpu.memory_space<semaphore_mem>>)
        %dma_start3A_114 = tpu.memref_slice %arg4[%add3A_111] : memref<327680xi32, #tpu.memory_space<hbm>> -> memref<128xi32, #tpu.memory_space<hbm>>
        %dma_start3A_115 = tpu.memref_slice %arg4[%add3A_111] : memref<327680xi32, #tpu.memory_space<hbm>> -> memref<128xi32, #tpu.memory_space<hbm>>
        tpu.enqueue_dma source(%dma_start3A_115 : memref<128xi32, #tpu.memory_space<hbm>>) target(%arg11 : memref<128xi32, #tpu.memory_space<vmem>>) target_semaphore(%arg17 : memref<!tpu.dma_semaphore, #tpu.memory_space<semaphore_mem>>)
        %dma_start3A_116 = tpu.memref_slice %arg5[%add3A_111] : memref<327680xf32, #tpu.memory_space<hbm>> -> memref<128xf32, #tpu.memory_space<hbm>>
        %dma_start3A_117 = tpu.memref_slice %arg5[%add3A_111] : memref<327680xf32, #tpu.memory_space<hbm>> -> memref<128xf32, #tpu.memory_space<hbm>>
        tpu.enqueue_dma source(%dma_start3A_117 : memref<128xf32, #tpu.memory_space<hbm>>) target(%arg13 : memref<128xf32, #tpu.memory_space<vmem>>) target_semaphore(%arg17 : memref<!tpu.dma_semaphore, #tpu.memory_space<semaphore_mem>>)
      } else {
      }
      %dma_wait3A_89 = arith.constant 0 : i32
      %dma_wait3A_90 = arith.constant 0 : i32
      %dma_wait3A_91 = tpu.memref_slice %arg2[%dma_wait3A_89, %dma_wait3A_90] : memref<10000x128xf32, #tpu.memory_space<hbm>> -> memref<10000x128xf32, #tpu.memory_space<hbm>>
      tpu.wait_indirect_dma semaphore(%arg20 : memref<!tpu.dma_semaphore, #tpu.memory_space<semaphore_mem>>) src(%dma_wait3A_91 : memref<10000x128xf32, #tpu.memory_space<hbm>>) dst(%arg16 : memref<128x128xf32, #tpu.memory_space<vmem>>)
      %not3A_92 = arith.constant true
      %not3A_93 = arith.xori %eq3A_61, %not3A_92 : i1
      %convert_element_type3A_94 = arith.extui %not3A_93 : i1 to i32
      %cond3A_95 = arith.constant 0 : i32
      %cond3A_96 = arith.cmpi ne, %convert_element_type3A_94, %cond3A_95 : i32
      scf.if %cond3A_96 {
        %dma_wait3A_107 = arith.constant 0 : i32
        %dma_wait3A_108 = tpu.memref_slice %arg3[%dma_wait3A_107] : memref<327680xi32, #tpu.memory_space<hbm>> -> memref<128xi32, #tpu.memory_space<hbm>>
        %dma_wait3A_109 = arith.constant 0 : i32
        %dma_wait3A_110 = tpu.memref_slice %arg3[%dma_wait3A_109] : memref<327680xi32, #tpu.memory_space<hbm>> -> memref<128xi32, #tpu.memory_space<hbm>>
        tpu.wait_dma2 semaphore(%arg17 : memref<!tpu.dma_semaphore, #tpu.memory_space<semaphore_mem>>) src(%dma_wait3A_110 : memref<128xi32, #tpu.memory_space<hbm>>) dst(%arg9 : memref<128xi32, #tpu.memory_space<vmem>>)
        %dma_wait3A_111 = arith.constant 0 : i32
        %dma_wait3A_112 = tpu.memref_slice %arg4[%dma_wait3A_111] : memref<327680xi32, #tpu.memory_space<hbm>> -> memref<128xi32, #tpu.memory_space<hbm>>
        %dma_wait3A_113 = arith.constant 0 : i32
        %dma_wait3A_114 = tpu.memref_slice %arg4[%dma_wait3A_113] : memref<327680xi32, #tpu.memory_space<hbm>> -> memref<128xi32, #tpu.memory_space<hbm>>
        tpu.wait_dma2 semaphore(%arg17 : memref<!tpu.dma_semaphore, #tpu.memory_space<semaphore_mem>>) src(%dma_wait3A_114 : memref<128xi32, #tpu.memory_space<hbm>>) dst(%arg11 : memref<128xi32, #tpu.memory_space<vmem>>)
        %dma_wait3A_115 = arith.constant 0 : i32
        %dma_wait3A_116 = tpu.memref_slice %arg5[%dma_wait3A_115] : memref<327680xf32, #tpu.memory_space<hbm>> -> memref<128xf32, #tpu.memory_space<hbm>>
        %dma_wait3A_117 = arith.constant 0 : i32
        %dma_wait3A_118 = tpu.memref_slice %arg5[%dma_wait3A_117] : memref<327680xf32, #tpu.memory_space<hbm>> -> memref<128xf32, #tpu.memory_space<hbm>>
        tpu.wait_dma2 semaphore(%arg17 : memref<!tpu.dma_semaphore, #tpu.memory_space<semaphore_mem>>) src(%dma_wait3A_118 : memref<128xf32, #tpu.memory_space<hbm>>) dst(%arg13 : memref<128xf32, #tpu.memory_space<vmem>>)
        %dma_start3A_119 = arith.constant 0 : i32
        %dma_start3A_120 = arith.constant 0 : i32
        %dma_start3A_121 = tpu.memref_slice %arg2[%dma_start3A_119, %dma_start3A_120] : memref<10000x128xf32, #tpu.memory_space<hbm>> -> memref<10000x128xf32, #tpu.memory_space<hbm>>
        tpu.enqueue_indirect_dma source(%dma_start3A_121 : memref<10000x128xf32, #tpu.memory_space<hbm>>) target(%arg15 : memref<128x128xf32, #tpu.memory_space<vmem>>) offsets(%arg9 : memref<128xi32, #tpu.memory_space<vmem>>) semaphore(%arg19 : memref<!tpu.dma_semaphore, #tpu.memory_space<semaphore_mem>>)
      } else {
      }
      %scan3A_97 = arith.constant 0 : i32
      %scan3A_98 = arith.constant 128 : i32
      %scan3A_99 = arith.addi %scan3A_97, %scan3A_98 : i32
      %scan3A_100 = arith.constant 1 : i32
      scf.for %scan3A_107 = %scan3A_97 to %scan3A_99 step %scan3A_100  : i32 {
        %mul3A_108 = arith.constant 1 : i32
        %mul3A_109 = arith.muli %scan3A_107, %mul3A_108 : i32
        %add3A_110 = arith.constant 0 : i32
        %add3A_111 = arith.addi %add3A_110, %mul3A_109 : i32
        %broadcast_in_dim3A = vector.broadcast %add3A_111 : i32 to vector<16xi32>
        %gather3A = tpu.vector_load_idx %arg14[%broadcast_in_dim3A] : memref<128xf32, #tpu.memory_space<vmem>>[vector<16xi32>], vector<16xf32>,
        %get3A = arith.constant 0 : i32
        %get3A_112 = tpu.memref_slice %arg16[%add3A_111, %get3A] : memref<128x128xf32, #tpu.memory_space<vmem>> -> memref<1x128xf32, #tpu.memory_space<vmem>>
        %get3A_113 = tpu.memref_squeeze %get3A_112 : memref<1x128xf32, #tpu.memory_space<vmem>> -> memref<128xf32, #tpu.memory_space<vmem>>
        %get3A_114 = arith.constant 0 : index
        %get3A_115 = tpu.vector_load %get3A_113[%get3A_114] {strides = array<i32>} : memref<128xf32, #tpu.memory_space<vmem>>, vector<16xf32>,
        %mul3A_116 = arith.mulf %get3A_115, %gather3A : vector<16xf32>
        %swap3A = arith.constant 0 : i32
        %swap3A_117 = tpu.memref_slice %arg16[%add3A_111, %swap3A] : memref<128x128xf32, #tpu.memory_space<vmem>> -> memref<1x128xf32, #tpu.memory_space<vmem>>
        %swap3A_118 = tpu.memref_squeeze %swap3A_117 : memref<1x128xf32, #tpu.memory_space<vmem>> -> memref<128xf32, #tpu.memory_space<vmem>>
        %swap3A_119 = arith.constant 0 : index
        %swap3A_120 = tpu.vector_load %swap3A_118[%swap3A_119] {strides = array<i32>} : memref<128xf32, #tpu.memory_space<vmem>>, vector<16xf32>,
        tpu.vector_store %swap3A_118[%swap3A_119], %mul3A_116 {strides = array<i32>} : memref<128xf32, #tpu.memory_space<vmem>>, vector<16xf32>,
        %get3A_121 = arith.constant 0 : i32
        %get3A_122 = tpu.memref_slice %arg16[%add3A_111, %get3A_121] : memref<128x128xf32, #tpu.memory_space<vmem>> -> memref<1x128xf32, #tpu.memory_space<vmem>>
        %get3A_123 = tpu.memref_squeeze %get3A_122 : memref<1x128xf32, #tpu.memory_space<vmem>> -> memref<128xf32, #tpu.memory_space<vmem>>
        %get3A_124 = arith.constant 16 : index
        %get3A_125 = tpu.vector_load %get3A_123[%get3A_124] {strides = array<i32>} : memref<128xf32, #tpu.memory_space<vmem>>, vector<16xf32>,
        %mul3A_126 = arith.mulf %get3A_125, %gather3A : vector<16xf32>
        %swap3A_127 = arith.constant 0 : i32
        %swap3A_128 = tpu.memref_slice %arg16[%add3A_111, %swap3A_127] : memref<128x128xf32, #tpu.memory_space<vmem>> -> memref<1x128xf32, #tpu.memory_space<vmem>>
        %swap3A_129 = tpu.memref_squeeze %swap3A_128 : memref<1x128xf32, #tpu.memory_space<vmem>> -> memref<128xf32, #tpu.memory_space<vmem>>
        %swap3A_130 = arith.constant 16 : index
        %swap3A_131 = tpu.vector_load %swap3A_129[%swap3A_130] {strides = array<i32>} : memref<128xf32, #tpu.memory_space<vmem>>, vector<16xf32>,
        tpu.vector_store %swap3A_129[%swap3A_130], %mul3A_126 {strides = array<i32>} : memref<128xf32, #tpu.memory_space<vmem>>, vector<16xf32>,
        %get3A_132 = arith.constant 0 : i32
        %get3A_133 = tpu.memref_slice %arg16[%add3A_111, %get3A_132] : memref<128x128xf32, #tpu.memory_space<vmem>> -> memref<1x128xf32, #tpu.memory_space<vmem>>
        %get3A_134 = tpu.memref_squeeze %get3A_133 : memref<1x128xf32, #tpu.memory_space<vmem>> -> memref<128xf32, #tpu.memory_space<vmem>>
        %get3A_135 = arith.constant 32 : index
        %get3A_136 = tpu.vector_load %get3A_134[%get3A_135] {strides = array<i32>} : memref<128xf32, #tpu.memory_space<vmem>>, vector<16xf32>,
        %mul3A_137 = arith.mulf %get3A_136, %gather3A : vector<16xf32>
        %swap3A_138 = arith.constant 0 : i32
        %swap3A_139 = tpu.memref_slice %arg16[%add3A_111, %swap3A_138] : memref<128x128xf32, #tpu.memory_space<vmem>> -> memref<1x128xf32, #tpu.memory_space<vmem>>
        %swap3A_140 = tpu.memref_squeeze %swap3A_139 : memref<1x128xf32, #tpu.memory_space<vmem>> -> memref<128xf32, #tpu.memory_space<vmem>>
        %swap3A_141 = arith.constant 32 : index
        %swap3A_142 = tpu.vector_load %swap3A_140[%swap3A_141] {strides = array<i32>} : memref<128xf32, #tpu.memory_space<vmem>>, vector<16xf32>,
        tpu.vector_store %swap3A_140[%swap3A_141], %mul3A_137 {strides = array<i32>} : memref<128xf32, #tpu.memory_space<vmem>>, vector<16xf32>,
        %get3A_143 = arith.constant 0 : i32
        %get3A_144 = tpu.memref_slice %arg16[%add3A_111, %get3A_143] : memref<128x128xf32, #tpu.memory_space<vmem>> -> memref<1x128xf32, #tpu.memory_space<vmem>>
        %get3A_145 = tpu.memref_squeeze %get3A_144 : memref<1x128xf32, #tpu.memory_space<vmem>> -> memref<128xf32, #tpu.memory_space<vmem>>
        %get3A_146 = arith.constant 48 : index
        %get3A_147 = tpu.vector_load %get3A_145[%get3A_146] {strides = array<i32>} : memref<128xf32, #tpu.memory_space<vmem>>, vector<16xf32>,
        %mul3A_148 = arith.mulf %get3A_147, %gather3A : vector<16xf32>
        %swap3A_149 = arith.constant 0 : i32
        %swap3A_150 = tpu.memref_slice %arg16[%add3A_111, %swap3A_149] : memref<128x128xf32, #tpu.memory_space<vmem>> -> memref<1x128xf32, #tpu.memory_space<vmem>>
        %swap3A_151 = tpu.memref_squeeze %swap3A_150 : memref<1x128xf32, #tpu.memory_space<vmem>> -> memref<128xf32, #tpu.memory_space<vmem>>
        %swap3A_152 = arith.constant 48 : index
        %swap3A_153 = tpu.vector_load %swap3A_151[%swap3A_152] {strides = array<i32>} : memref<128xf32, #tpu.memory_space<vmem>>, vector<16xf32>,
        tpu.vector_store %swap3A_151[%swap3A_152], %mul3A_148 {strides = array<i32>} : memref<128xf32, #tpu.memory_space<vmem>>, vector<16xf32>,
        %get3A_154 = arith.constant 0 : i32
        %get3A_155 = tpu.memref_slice %arg16[%add3A_111, %get3A_154] : memref<128x128xf32, #tpu.memory_space<vmem>> -> memref<1x128xf32, #tpu.memory_space<vmem>>
        %get3A_156 = tpu.memref_squeeze %get3A_155 : memref<1x128xf32, #tpu.memory_space<vmem>> -> memref<128xf32, #tpu.memory_space<vmem>>
        %get3A_157 = arith.constant 64 : index
        %get3A_158 = tpu.vector_load %get3A_156[%get3A_157] {strides = array<i32>} : memref<128xf32, #tpu.memory_space<vmem>>, vector<16xf32>,
        %mul3A_159 = arith.mulf %get3A_158, %gather3A : vector<16xf32>
        %swap3A_160 = arith.constant 0 : i32
        %swap3A_161 = tpu.memref_slice %arg16[%add3A_111, %swap3A_160] : memref<128x128xf32, #tpu.memory_space<vmem>> -> memref<1x128xf32, #tpu.memory_space<vmem>>
        %swap3A_162 = tpu.memref_squeeze %swap3A_161 : memref<1x128xf32, #tpu.memory_space<vmem>> -> memref<128xf32, #tpu.memory_space<vmem>>
        %swap3A_163 = arith.constant 64 : index
        %swap3A_164 = tpu.vector_load %swap3A_162[%swap3A_163] {strides = array<i32>} : memref<128xf32, #tpu.memory_space<vmem>>, vector<16xf32>,
        tpu.vector_store %swap3A_162[%swap3A_163], %mul3A_159 {strides = array<i32>} : memref<128xf32, #tpu.memory_space<vmem>>, vector<16xf32>,
        %get3A_165 = arith.constant 0 : i32
        %get3A_166 = tpu.memref_slice %arg16[%add3A_111, %get3A_165] : memref<128x128xf32, #tpu.memory_space<vmem>> -> memref<1x128xf32, #tpu.memory_space<vmem>>
        %get3A_167 = tpu.memref_squeeze %get3A_166 : memref<1x128xf32, #tpu.memory_space<vmem>> -> memref<128xf32, #tpu.memory_space<vmem>>
        %get3A_168 = arith.constant 80 : index
        %get3A_169 = tpu.vector_load %get3A_167[%get3A_168] {strides = array<i32>} : memref<128xf32, #tpu.memory_space<vmem>>, vector<16xf32>,
        %mul3A_170 = arith.mulf %get3A_169, %gather3A : vector<16xf32>
        %swap3A_171 = arith.constant 0 : i32
        %swap3A_172 = tpu.memref_slice %arg16[%add3A_111, %swap3A_171] : memref<128x128xf32, #tpu.memory_space<vmem>> -> memref<1x128xf32, #tpu.memory_space<vmem>>
        %swap3A_173 = tpu.memref_squeeze %swap3A_172 : memref<1x128xf32, #tpu.memory_space<vmem>> -> memref<128xf32, #tpu.memory_space<vmem>>
        %swap3A_174 = arith.constant 80 : index
        %swap3A_175 = tpu.vector_load %swap3A_173[%swap3A_174] {strides = array<i32>} : memref<128xf32, #tpu.memory_space<vmem>>, vector<16xf32>,
        tpu.vector_store %swap3A_173[%swap3A_174], %mul3A_170 {strides = array<i32>} : memref<128xf32, #tpu.memory_space<vmem>>, vector<16xf32>,
        %get3A_176 = arith.constant 0 : i32
        %get3A_177 = tpu.memref_slice %arg16[%add3A_111, %get3A_176] : memref<128x128xf32, #tpu.memory_space<vmem>> -> memref<1x128xf32, #tpu.memory_space<vmem>>
        %get3A_178 = tpu.memref_squeeze %get3A_177 : memref<1x128xf32, #tpu.memory_space<vmem>> -> memref<128xf32, #tpu.memory_space<vmem>>
        %get3A_179 = arith.constant 96 : index
        %get3A_180 = tpu.vector_load %get3A_178[%get3A_179] {strides = array<i32>} : memref<128xf32, #tpu.memory_space<vmem>>, vector<16xf32>,
        %mul3A_181 = arith.mulf %get3A_180, %gather3A : vector<16xf32>
        %swap3A_182 = arith.constant 0 : i32
        %swap3A_183 = tpu.memref_slice %arg16[%add3A_111, %swap3A_182] : memref<128x128xf32, #tpu.memory_space<vmem>> -> memref<1x128xf32, #tpu.memory_space<vmem>>
        %swap3A_184 = tpu.memref_squeeze %swap3A_183 : memref<1x128xf32, #tpu.memory_space<vmem>> -> memref<128xf32, #tpu.memory_space<vmem>>
        %swap3A_185 = arith.constant 96 : index
        %swap3A_186 = tpu.vector_load %swap3A_184[%swap3A_185] {strides = array<i32>} : memref<128xf32, #tpu.memory_space<vmem>>, vector<16xf32>,
        tpu.vector_store %swap3A_184[%swap3A_185], %mul3A_181 {strides = array<i32>} : memref<128xf32, #tpu.memory_space<vmem>>, vector<16xf32>,
        %get3A_187 = arith.constant 0 : i32
        %get3A_188 = tpu.memref_slice %arg16[%add3A_111, %get3A_187] : memref<128x128xf32, #tpu.memory_space<vmem>> -> memref<1x128xf32, #tpu.memory_space<vmem>>
        %get3A_189 = tpu.memref_squeeze %get3A_188 : memref<1x128xf32, #tpu.memory_space<vmem>> -> memref<128xf32, #tpu.memory_space<vmem>>
        %get3A_190 = arith.constant 112 : index
        %get3A_191 = tpu.vector_load %get3A_189[%get3A_190] {strides = array<i32>} : memref<128xf32, #tpu.memory_space<vmem>>, vector<16xf32>,
        %mul3A_192 = arith.mulf %get3A_191, %gather3A : vector<16xf32>
        %swap3A_193 = arith.constant 0 : i32
        %swap3A_194 = tpu.memref_slice %arg16[%add3A_111, %swap3A_193] : memref<128x128xf32, #tpu.memory_space<vmem>> -> memref<1x128xf32, #tpu.memory_space<vmem>>
        %swap3A_195 = tpu.memref_squeeze %swap3A_194 : memref<1x128xf32, #tpu.memory_space<vmem>> -> memref<128xf32, #tpu.memory_space<vmem>>
        %swap3A_196 = arith.constant 112 : index
        %swap3A_197 = tpu.vector_load %swap3A_195[%swap3A_196] {strides = array<i32>} : memref<128xf32, #tpu.memory_space<vmem>>, vector<16xf32>,
        tpu.vector_store %swap3A_195[%swap3A_196], %mul3A_192 {strides = array<i32>} : memref<128xf32, #tpu.memory_space<vmem>>, vector<16xf32>,
      }
      %scan3A_101 = arith.constant 128 : i32
      "tpu.region"() ({
        %run_scoped3A = tpu.sem_alloc : memref<!tpu.dma_semaphore, #tpu.memory_space<semaphore_mem>>
        %dma_start3A_107 = arith.constant 0 : i32
        %dma_start3A_108 = arith.constant 0 : i32
        %dma_start3A_109 = tpu.memref_slice %arg8[%dma_start3A_107, %dma_start3A_108] : memref<10000x128xf32, #tpu.memory_space<vmem_shared>> -> memref<10000x128xf32, #tpu.memory_space<vmem_shared>>
        tpu.enqueue_indirect_dma source(%arg16 : memref<128x128xf32, #tpu.memory_space<vmem>>) target(%dma_start3A_109 : memref<10000x128xf32, #tpu.memory_space<vmem_shared>>) offsets(%arg12 : memref<128xi32, #tpu.memory_space<vmem>>) semaphore(%run_scoped3A : memref<!tpu.dma_semaphore, #tpu.memory_space<semaphore_mem>>) {add = true}
        %dma_wait3A_110 = arith.constant 0 : i32
        %dma_wait3A_111 = arith.constant 0 : i32
        %dma_wait3A_112 = tpu.memref_slice %arg8[%dma_wait3A_110, %dma_wait3A_111] : memref<10000x128xf32, #tpu.memory_space<vmem_shared>> -> memref<10000x128xf32, #tpu.memory_space<vmem_shared>>
        tpu.wait_indirect_dma semaphore(%run_scoped3A : memref<!tpu.dma_semaphore, #tpu.memory_space<semaphore_mem>>) src(%arg16 : memref<128x128xf32, #tpu.memory_space<vmem>>) dst(%dma_wait3A_112 : memref<10000x128xf32, #tpu.memory_space<vmem_shared>>)
        tpu.yield
      }) : () -> ()
      %not3A_102 = arith.constant true
      %not3A_103 = arith.xori %eq3A_61, %not3A_102 : i1
      %convert_element_type3A_104 = arith.extui %not3A_103 : i1 to i32
      %cond3A_105 = arith.constant 0 : i32
      %cond3A_106 = arith.cmpi ne, %convert_element_type3A_104, %cond3A_105 : i32
      scf.if %cond3A_106 {
        %add3A_107 = arith.constant 3 : i32
        %add3A_108 = arith.addi %mul3A_59, %add3A_107 : i32
        %mul3A_109 = arith.constant 128 : i32
        %mul3A_110 = arith.muli %add3A_108, %mul3A_109 : i32
        %add3A_111 = arith.addi %mul3A_2, %mul3A_110 : i32
        %dma_start3A_112 = tpu.memref_slice %arg3[%add3A_111] : memref<327680xi32, #tpu.memory_space<hbm>> -> memref<128xi32, #tpu.memory_space<hbm>>
        %dma_start3A_113 = tpu.memref_slice %arg3[%add3A_111] : memref<327680xi32, #tpu.memory_space<hbm>> -> memref<128xi32, #tpu.memory_space<hbm>>
        tpu.enqueue_dma source(%dma_start3A_113 : memref<128xi32, #tpu.memory_space<hbm>>) target(%arg10 : memref<128xi32, #tpu.memory_space<vmem>>) target_semaphore(%arg18 : memref<!tpu.dma_semaphore, #tpu.memory_space<semaphore_mem>>)
        %dma_start3A_114 = tpu.memref_slice %arg4[%add3A_111] : memref<327680xi32, #tpu.memory_space<hbm>> -> memref<128xi32, #tpu.memory_space<hbm>>
        %dma_start3A_115 = tpu.memref_slice %arg4[%add3A_111] : memref<327680xi32, #tpu.memory_space<hbm>> -> memref<128xi32, #tpu.memory_space<hbm>>
        tpu.enqueue_dma source(%dma_start3A_115 : memref<128xi32, #tpu.memory_space<hbm>>) target(%arg12 : memref<128xi32, #tpu.memory_space<vmem>>) target_semaphore(%arg18 : memref<!tpu.dma_semaphore, #tpu.memory_space<semaphore_mem>>)
        %dma_start3A_116 = tpu.memref_slice %arg5[%add3A_111] : memref<327680xf32, #tpu.memory_space<hbm>> -> memref<128xf32, #tpu.memory_space<hbm>>
        %dma_start3A_117 = tpu.memref_slice %arg5[%add3A_111] : memref<327680xf32, #tpu.memory_space<hbm>> -> memref<128xf32, #tpu.memory_space<hbm>>
        tpu.enqueue_dma source(%dma_start3A_117 : memref<128xf32, #tpu.memory_space<hbm>>) target(%arg14 : memref<128xf32, #tpu.memory_space<vmem>>) target_semaphore(%arg18 : memref<!tpu.dma_semaphore, #tpu.memory_space<semaphore_mem>>)
      } else {
      }
    }
    %scan3A_41 = arith.constant 40 : i32
    %barrier3A_42 = arith.constant 0 : index
    tpu.barrier barrier_id(%barrier3A_42)
    %lt3A_43 = arith.constant 15 : i32
    %lt3A_44 = arith.cmpi slt, %arg1, %lt3A_43 : i32
    %convert_element_type3A_45 = arith.extui %lt3A_44 : i1 to i32
    %cond3A_46 = arith.constant 0 : i32
    %cond3A_47 = arith.cmpi ne, %convert_element_type3A_45, %cond3A_46 : i32
    scf.if %cond3A_47 {
      %mul3A_53 = arith.constant 632 : i32
      %mul3A_54 = arith.muli %arg1, %mul3A_53 : i32
      %mul3A_55 = arith.constant 632 : i32
      %mul3A_56 = arith.muli %arg1, %mul3A_55 : i32
      "tpu.region"() ({
        %run_scoped3A = tpu.sem_alloc : memref<!tpu.dma_semaphore, #tpu.memory_space<semaphore_mem>>
        %dma_start3A_57 = arith.constant 0 : i32
        %dma_start3A_58 = tpu.memref_slice %arg7[%arg0, %mul3A_56, %dma_start3A_57] : memref<2x10000x128xf32, #tpu.memory_space<hbm>> -> memref<1x632x128xf32, #tpu.memory_space<hbm>>
        %dma_start3A_59 = tpu.memref_squeeze %dma_start3A_58 : memref<1x632x128xf32, #tpu.memory_space<hbm>> -> memref<632x128xf32, #tpu.memory_space<hbm>>
        %dma_start3A_60 = arith.constant 0 : i32
        %dma_start3A_61 = tpu.memref_slice %arg8[%mul3A_54, %dma_start3A_60] : memref<10000x128xf32, #tpu.memory_space<vmem_shared>> -> memref<632x128xf32, #tpu.memory_space<vmem_shared>>
        tpu.enqueue_dma source(%dma_start3A_61 : memref<632x128xf32, #tpu.memory_space<vmem_shared>>) target(%dma_start3A_59 : memref<632x128xf32, #tpu.memory_space<hbm>>) target_semaphore(%run_scoped3A : memref<!tpu.dma_semaphore, #tpu.memory_space<semaphore_mem>>)
        %dma_wait3A_62 = arith.constant 0 : i32
        %dma_wait3A_63 = tpu.memref_slice %arg7[%arg0, %mul3A_56, %dma_wait3A_62] : memref<2x10000x128xf32, #tpu.memory_space<hbm>> -> memref<1x632x128xf32, #tpu.memory_space<hbm>>
        %dma_wait3A_64 = tpu.memref_squeeze %dma_wait3A_63 : memref<1x632x128xf32, #tpu.memory_space<hbm>> -> memref<632x128xf32, #tpu.memory_space<hbm>>
        %dma_wait3A_65 = arith.constant 0 : i32
        %dma_wait3A_66 = tpu.memref_slice %arg8[%mul3A_54, %dma_wait3A_65] : memref<10000x128xf32, #tpu.memory_space<vmem_shared>> -> memref<632x128xf32, #tpu.memory_space<vmem_shared>>
        tpu.wait_dma2 semaphore(%run_scoped3A : memref<!tpu.dma_semaphore, #tpu.memory_space<semaphore_mem>>) src(%dma_wait3A_66 : memref<632x128xf32, #tpu.memory_space<vmem_shared>>) dst(%dma_wait3A_64 : memref<632x128xf32, #tpu.memory_space<hbm>>)
        tpu.yield
      }) : () -> ()
    } else {
    }
    %eq3A_48 = arith.constant 15 : i32
    %eq3A_49 = arith.cmpi eq, %arg1, %eq3A_48 : i32
    %convert_element_type3A_50 = arith.extui %eq3A_49 : i1 to i32
    %cond3A_51 = arith.constant 0 : i32
    %cond3A_52 = arith.cmpi ne, %convert_element_type3A_50, %cond3A_51 : i32
    scf.if %cond3A_52 {
      "tpu.region"() ({
        %run_scoped3A = tpu.sem_alloc : memref<!tpu.dma_semaphore, #tpu.memory_space<semaphore_mem>>
        %dma_start3A_53 = arith.constant 9480 : i32
        %dma_start3A_54 = arith.constant 0 : i32
        %dma_start3A_55 = tpu.memref_slice %arg7[%arg0, %dma_start3A_53, %dma_start3A_54] : memref<2x10000x128xf32, #tpu.memory_space<hbm>> -> memref<1x520x128xf32, #tpu.memory_space<hbm>>
        %dma_start3A_56 = tpu.memref_squeeze %dma_start3A_55 : memref<1x520x128xf32, #tpu.memory_space<hbm>> -> memref<520x128xf32, #tpu.memory_space<hbm>>
        %dma_start3A_57 = arith.constant 9480 : i32
        %dma_start3A_58 = arith.constant 0 : i32
        %dma_start3A_59 = tpu.memref_slice %arg8[%dma_start3A_57, %dma_start3A_58] : memref<10000x128xf32, #tpu.memory_space<vmem_shared>> -> memref<520x128xf32, #tpu.memory_space<vmem_shared>>
        tpu.enqueue_dma source(%dma_start3A_59 : memref<520x128xf32, #tpu.memory_space<vmem_shared>>) target(%dma_start3A_56 : memref<520x128xf32, #tpu.memory_space<hbm>>) target_semaphore(%run_scoped3A : memref<!tpu.dma_semaphore, #tpu.memory_space<semaphore_mem>>)
        %dma_wait3A_60 = arith.constant 9480 : i32
        %dma_wait3A_61 = arith.constant 0 : i32
        %dma_wait3A_62 = tpu.memref_slice %arg7[%arg0, %dma_wait3A_60, %dma_wait3A_61] : memref<2x10000x128xf32, #tpu.memory_space<hbm>> -> memref<1x520x128xf32, #tpu.memory_space<hbm>>
        %dma_wait3A_63 = tpu.memref_squeeze %dma_wait3A_62 : memref<1x520x128xf32, #tpu.memory_space<hbm>> -> memref<520x128xf32, #tpu.memory_space<hbm>>
        %dma_wait3A_64 = arith.constant 9480 : i32
        %dma_wait3A_65 = arith.constant 0 : i32
        %dma_wait3A_66 = tpu.memref_slice %arg8[%dma_wait3A_64, %dma_wait3A_65] : memref<10000x128xf32, #tpu.memory_space<vmem_shared>> -> memref<520x128xf32, #tpu.memory_space<vmem_shared>>
        tpu.wait_dma2 semaphore(%run_scoped3A : memref<!tpu.dma_semaphore, #tpu.memory_space<semaphore_mem>>) src(%dma_wait3A_66 : memref<520x128xf32, #tpu.memory_space<vmem_shared>>) dst(%dma_wait3A_63 : memref<520x128xf32, #tpu.memory_space<hbm>>)
        tpu.yield
      }) : () -> ()
    } else {
    }
    return
  }
}

module attributes {stable_mosaic.version = 14 : i64} {
  func.func @body(%arg0: i32, %arg1: memref<2x1000x128xf32, #tpu.memory_space<vmem>>, %arg2: memref<128x128xf32, #tpu.memory_space<vmem>>, %arg3: memref<1x128xf32, #tpu.memory_space<vmem>>, %arg4: memref<1000x128xf32, #tpu.memory_space<vmem>>) attributes {dimension_semantics = [#tpu.dimension_semantics<arbitrary>], iteration_bounds = array<i64: 10>, scalar_prefetch = 0 : i64, scratch_operands = 0 : i64, tpu.core_type = #tpu.core_type<tc>, window_params = [{transform_indices = @transform_0, window_bounds = array<i64: 2, 1000, 128>}, {pipeline_mode = #tpu.pipeline_mode<synchronous>, transform_indices = @transform_1, window_bounds = array<i64: 128, 128>}, {pipeline_mode = #tpu.pipeline_mode<synchronous>, transform_indices = @transform_2, window_bounds = array<i64: 1, 128>}, {transform_indices = @transform_3, window_bounds = array<i64: 1000, 128>}]} {
    %get3A = arith.constant 0 : index
    %get3A_0 = arith.constant 0 : index
    %get3A_1 = arith.constant 0 : index
    %get3A_2 = vector.load %arg1[%get3A, %get3A_0, %get3A_1] : memref<2x1000x128xf32, #tpu.memory_space<vmem>>, vector<1x1000x128xf32>
    %get3A_3 = vector.shape_cast %get3A_2 : vector<1x1000x128xf32> to vector<1000x128xf32>
    %get3A_4 = arith.constant 1 : index
    %get3A_5 = arith.constant 0 : index
    %get3A_6 = arith.constant 0 : index
    %get3A_7 = vector.load %arg1[%get3A_4, %get3A_5, %get3A_6] : memref<2x1000x128xf32, #tpu.memory_space<vmem>>, vector<1x1000x128xf32>
    %get3A_8 = vector.shape_cast %get3A_7 : vector<1x1000x128xf32> to vector<1000x128xf32>
    %add3A = arith.addf %get3A_3, %get3A_8 : vector<1000x128xf32>
    %get3A_9 = arith.constant 0 : index
    %get3A_10 = arith.constant 0 : index
    %get3A_11 = vector.load %arg2[%get3A_9, %get3A_10] : memref<128x128xf32, #tpu.memory_space<vmem>>, vector<128x128xf32>
    %dot_general3A = arith.constant dense<0.000000e+00> : vector<1000x128xf32>
    %dot_general3A_12 = tpu.matmul %add3A, %get3A_11, %dot_general3A {dimension_numbers = #tpu.dot_dimension_numbers<[1], [0], [0], [1], [0, 0, 1, 1], [], []>, transpose_lhs_hint = false} : vector<1000x128xf32>, vector<128x128xf32>, vector<1000x128xf32> -> vector<1000x128xf32>
    %get3A_13 = arith.constant 0 : index
    %get3A_14 = arith.constant 0 : index
    %get3A_15 = vector.load %arg3[%get3A_13, %get3A_14] : memref<1x128xf32, #tpu.memory_space<vmem>>, vector<1x128xf32>
    %add3A_16 = vector.broadcast %get3A_15 : vector<1x128xf32> to vector<1000x128xf32>
    %add3A_17 = arith.addf %dot_general3A_12, %add3A_16 : vector<1000x128xf32>
    %swap3A = arith.constant 0 : index
    %swap3A_18 = arith.constant 0 : index
    %swap3A_19 = vector.load %arg4[%swap3A, %swap3A_18] : memref<1000x128xf32, #tpu.memory_space<vmem>>, vector<1000x128xf32>
    tpu.vector_store %arg4[%swap3A, %swap3A_18], %add3A_17 {strides = array<i32>} : memref<1000x128xf32, #tpu.memory_space<vmem>>, vector<1000x128xf32>,
    return
  }
  func.func @transform_0(%arg0: i32) -> (i32, i32, i32) {
    %c0_i32 = arith.constant 0 : i32
    %c0_i32_0 = arith.constant 0 : i32
    %c0_i32_1 = arith.constant 0 : i32
    return %c0_i32, %arg0, %c0_i32_0 : i32, i32, i32
  }
  func.func @transform_1(%arg0: i32) -> (i32, i32) {
    %c0_i32 = arith.constant 0 : i32
    %c0_i32_0 = arith.constant 0 : i32
    %c0_i32_1 = arith.constant 0 : i32
    return %c0_i32, %c0_i32_0 : i32, i32
  }
  func.func @transform_2(%arg0: i32) -> (i32, i32) {
    %c0_i32 = arith.constant 0 : i32
    %c0_i32_0 = arith.constant 0 : i32
    %c0_i32_1 = arith.constant 0 : i32
    return %c0_i32, %c0_i32_0 : i32, i32
  }
  func.func @transform_3(%arg0: i32) -> (i32, i32) {
    %c0_i32 = arith.constant 0 : i32
    %c0_i32_0 = arith.constant 0 : i32
    return %arg0, %c0_i32 : i32, i32
  }
}

</mosaic_0001>

<sc_bundles>
// kernel: kernel.4.cloned.1.call-start
scs
__scs_entry_jumppad:
0x0: {  	(pc) =	sbr.rel $0x88, $3  }
0x1: {  	(tag) =	ssettag $0x0;
	lr =	simm.s32 $0x1  }
0x2: {  	[smem:$0x3F9C] =	sst lr;
	_ =	strace $0xD0000000  }
0x3: {  	_ = 	snop  }
0x4: {  	_ = 	snop  }
0x5: {  	_ = 	snop  }
0x6: {  	_ = 	snop  }
0x7: {  	_ = 	snop  }
__scs_overlays_trampoline_lowered:
0x8: {  	[smem:$0x3FAB] =	sst s0  }
0x9: {  	[smem:$0x3FAC] =	sst s1  }
0xa: {  	[smem:$0x3FAD] =	sst s2  }
0xb: {  	[smem:$0x3FAE] =	sst s3  }
0xc: {  	[smem:$0x3FAF] =	sst s4  }
0xd: {  	[smem:$0x3FB0] =	sst s5  }
0xe: {  	[smem:$0x3FB1] =	sst s6  }
0xf: {  	[smem:$0x3FB2] =	sst s7  }
0x10: {  	[smem:$0x3FB3] =	sst s8  }
0x11: {  	[smem:$0x3FB4] =	sst s9;
	s0 =	simm.s32 @!p0 $0x0  }
0x12: {  	s1 =	sld [smem:$0x3F9A];
	s0 =	simm.s32 @p0 $0x1  }
0x13: {  	[smem:$0x3FB5] =	sst s0;
	s0 =	simm.s32 @!p1 $0x0  }
0x14: {  	s2 =	sld [smem:$0x3F99];
	s0 =	simm.s32 @p1 $0x1  }
0x15: {  	[smem:$0x3FB6] =	sst s0;
	s0 =	simm.s32 @!p2 $0x0  }
0x16: {  	s3 =	sld [smem:$0x3FDB];
	s0 =	simm.s32 @p2 $0x1  }
0x17: {  	s4 =	simm.s32 $0x1BF5;
	[smem:$0x3FB8] =	sst s0  }
0x18: {  	s0 =	sld [smem:$0x3F9B];
	_ =	swait.ge [sflag:s4], $0x0  }
0x19: {  	s7 =	sld [smem:$0x3F9C]  }
0x1a: {  	s8 =	sadd.s32 $0xFFFFE003, lr  }
0x1b: {  	s9 =	sadd.s32 $0xFFFFFEF7, lr;
	s5 =	simm.s32 $0xFFFFFFFF;
	p2 =	slt.u32 s8, $0xFFFFF086  }
0x1c: {  	p1 =	slt.u32 s9, $0xF7A;
	s5 =	simm.s32 @!p2 $0x0  }
0x1d: {  	s5 =	simm.s32 @p1 $0x1;
	p0 =	seq.s32 s7, s2  }
0x1e: {  	s7 =	smul.u32 @!p0 $0xF7A, s2;
	p2 =	seq.s32 @!p0 s5, $0x0  }
0x1f: {  	s9 =	smul.u32 $0xF7A, s1;
	s8 =	simm.s32 @!p0 $0x1BF5;
	p2 =	por !p2, p0  }
0x20: {  	[sflag:s8] =	ssyncset.s32 @!p0 $0xFFFFF086;
	s6 =	sadd.s32 @!p0 s3, s7;
	s7 =	simm.s32 @!p0 $0x108  }
0x21: {  	s3 =	sadd.s32 s3, s9;
	s6 =	sadd.s32 @!p0 $0x88, s6;
	s7 =	simm.s32 @p2 $0x1082  }
0x22: {  	[simem:s7], [sflag:s8] =	dma.local @!p0 [hbm:s6], $0xF7A  }
0x23: {  	s9 =	sor.u32 $0xD0000000, s2;
	s6 =	simm.s32 $0x108;
	_ =	swait.ge @!p0 [sflag:s8], $0x0  }
0x24: {  	s3 =	sadd.s32 $0x88, s3;
	s6 =	simm.s32 @!p1 $0x1082;
	[sflag:s4] =	ssyncset.s32 $0xFFFFF086  }
0x25: {  	[simem:s6], [sflag:s4] =	dma.local [hbm:s3], $0xF7A  }
0x26: {  	[smem:$0x3F9C] =	sst s1;
	(tag) =	ssettag s2;
	_ =	strace s9  }
0x27: {  	s1 =	sld [smem:$0x3FAC]  }
0x28: {  	s2 =	sld [smem:$0x3FAD]  }
0x29: {  	s4 =	sld [smem:$0x3FAF]  }
0x2a: {  	p0 =	seq.s32 s5, $0x0;
	s5 =	sld [smem:$0x3FB0]  }
0x2b: {  	s6 =	sld [smem:$0x3FB1]  }
0x2c: {  	s7 =	sld [smem:$0x3FB2]  }
0x2d: {  	s3 =	simm.s32 $0x108;
	s8 =	sld [smem:$0x3FB3]  }
0x2e: {  	s3 =	simm.s32 @!p0 $0x1082;
	s9 =	sld [smem:$0x3FB4]  }
0x2f: {  	lr =	sadd.s32 s0, s3;
	s0 =	sld [smem:$0x3FAB]  }
0x30: {  	s3 =	sld [smem:$0x3FAE]  }
0x31: {  	[smem:$0x3FB7] =	sst s10  }
0x32: {  	s10 =	sld [smem:$0x3FB5];
	_ =	sdelay $0x3  }
0x33: {  	p0 =	seq.s32 s10, $0x1;
	s10 =	sld [smem:$0x3FB7];
	_ =	sdelay $0x3  }
0x34: {  	[smem:$0x3FB7] =	sst s10  }
0x35: {  	s10 =	sld [smem:$0x3FB6];
	_ =	sdelay $0x3  }
0x36: {  	p1 =	seq.s32 s10, $0x1;
	s10 =	sld [smem:$0x3FB7];
	_ =	sdelay $0x3  }
0x37: {  	[smem:$0x3FB7] =	sst s10  }
0x38: {  	s10 =	sld [smem:$0x3FB8]  }
0x39: {  	_ = 	snop;
	(pc) =	sbr.ind lr, $3  }
0x3a: {  	_ = 	snop  }
0x3b: {  	_ = 	snop  }
0x3c: {  	p2 =	seq.s32 s10, $0x1;
	s10 =	sld [smem:$0x3FB7]  }
0x3d: {  	_ =	shalt  }
0x3e: {  	_ =	shalt  }
0x3f: {  	_ =	shalt  }
0x40: {  	_ =	shalt  }
0x41: {  	_ =	shalt  }
0x42: {  	_ =	shalt  }
0x43: {  	_ =	shalt  }
0x44: {  	_ =	shalt  }
0x45: {  	_ =	shalt  }
0x46: {  	_ =	shalt  }
0x47: {  	_ =	shalt  }
0x48: {  	_ =	shalt  }
0x49: {  	_ =	shalt  }
0x4a: {  	_ =	shalt  }
0x4b: {  	_ =	shalt  }
0x4c: {  	_ =	shalt  }
0x4d: {  	_ =	shalt  }
0x4e: {  	_ =	shalt  }
0x4f: {  	_ =	shalt  }
0x50: {  	_ =	shalt  }
0x51: {  	_ =	shalt  }
0x52: {  	_ =	shalt  }
0x53: {  	_ =	shalt  }
0x54: {  	_ =	shalt  }
0x55: {  	_ =	shalt  }
0x56: {  	_ =	shalt  }
0x57: {  	_ =	shalt  }
0x58: {  	_ =	shalt  }
0x59: {  	_ =	shalt  }
0x5a: {  	_ =	shalt  }
0x5b: {  	_ =	shalt  }
0x5c: {  	_ =	shalt  }
0x5d: {  	_ =	shalt  }
0x5e: {  	_ =	shalt  }
0x5f: {  	_ =	shalt  }
0x60: {  	_ =	shalt  }
0x61: {  	_ =	shalt  }
0x62: {  	_ =	shalt  }
0x63: {  	_ =	shalt  }
0x64: {  	_ =	shalt  }
0x65: {  	_ =	shalt  }
0x66: {  	_ =	shalt  }
0x67: {  	_ =	shalt  }
0x68: {  	_ =	shalt  }
0x69: {  	_ =	shalt  }
0x6a: {  	_ =	shalt  }
0x6b: {  	_ =	shalt  }
0x6c: {  	_ =	shalt  }
0x6d: {  	_ =	shalt  }
0x6e: {  	_ =	shalt  }
0x6f: {  	_ =	shalt  }
0x70: {  	_ =	shalt  }
0x71: {  	_ =	shalt  }
0x72: {  	_ =	shalt  }
0x73: {  	_ =	shalt  }
0x74: {  	_ =	shalt  }
0x75: {  	_ =	shalt  }
0x76: {  	_ =	shalt  }
0x77: {  	_ =	shalt  }
0x78: {  	_ =	shalt  }
0x79: {  	_ =	shalt  }
0x7a: {  	_ =	shalt  }
0x7b: {  	_ =	shalt  }
0x7c: {  	_ =	shalt  }
0x7d: {  	_ =	shalt  }
0x7e: {  	_ =	shalt  }
0x7f: {  	_ =	shalt  }
0x80: {  	_ =	shalt  }
0x81: {  	_ =	shalt  }
0x82: {  	_ =	shalt  }
0x83: {  	_ =	shalt  }
0x84: {  	_ =	shalt  }
0x85: {  	_ =	shalt  }
0x86: {  	_ =	shalt  }
0x87: {  	_ =	shalt  }
.Lfunc_end0:
.L_simem_size_0:
called_computation_lowered:
.L_overlay_start_0:
0x88: {  	s2 =	sld [smem:$0x3FD9]  }
0x89: {  	s3 =	sld [smem:$0x3FFE];
	_ =	sdelay $0x1  }
0x8a: {  	s1 =	srdreg.scid  }
0x8b: {  	s0 =	sand.u32 $0x1, s1  }
0x8c: {  	s17 =	sshll.u32 s0, $0xA;
	s2 =	sadd.s32 s3, s2  }
0x8d: {  	s2 =	sadd.s32 s2, s17  }
0x8e: {  	[smem:$0x3FC3] =	sst s2  }
0x8f: {  	_ = 	snop  }
0x90: {  	s2 =	sld [smem:$0x3FC9]  }
0x91: {  	s18 =	sld [smem:$0x3FD0];
	(tm) =	ssettm $0x1  }
0x92: {  	s4 =	sld [smem:$0x3FFB];
	_ =	sdelay $0x3  }
0x93: {  	_ =	strace s4  }
0x94: {  	s4 =	sld [smem:$0x3FFC];
	_ =	sdelay $0x3  }
0x95: {  	_ =	strace s4  }
0x96: {  	s4 =	sld [smem:$0x3FFD];
	_ =	sdelay $0x3  }
0x97: {  	_ =	strace s4  }
0x98: {  	_ =	strace $0x8FFFFFFF  }
0x99: {  	s19 =	sld [smem:$0x3FDB];
	_ =	sdelay $0x1  }
0x9a: {  	s5 =	simm.s32 $_scs_section_size  }
0x9b: {  	s6 =	simm.s32 $_size__tile_overlayer_lowered;
	s7 =	simm.s32 $_tile_overlayer_lowered  }
0x9c: {  	s22 =	simm.s32 $0x1BFF;
	s21 =	sshll.u32 s7, $0x1;
	s4 =	sadd.s32 s5, s19  }
0x9d: {  	s8 =	simm.s32 $0x0;
	s20 =	sshll.u32 s6, $0x1;
	s6 =	sadd.s32 s21, s4  }
0x9e: {  	[timem:s8], [sflag:s22] =	dma.local [hbm:s6], s20  }
0x9f: {  	_ =	swait.ge [sflag:s22], s20  }
0xa0: {  	s5 =	ssub.s32 $0x0, s20;
	[sflag:s22] =	ssyncset.done $0x0  }
0xa1: {  	[sflag:s22] =	ssyncadd.s32 s5;
	_ =	sdelay $0x1  }
0xa2: {  	s23 =	simm.s32 $0x1B8B  }
0xa3: {  	_ =	swait.ge [sflag:s23], $0x1  }
0xa4: {  	[sflag:s23] =	ssyncset.done $0x0  }
0xa5: {  	s25 =	simm.s32 $0x1B8E;
	s24 =	sld [smem:$0x3FFE];
	[sflag:s23] =	ssyncadd.s32 $0xFFFFFFFF  }
0xa6: {  	s26 =	simm.s32 $execute0_lowered;
	[smem:$0x3FD2] =	sst s25  }
0xa7: {  	s6 =	sshll.u32 s26, $0x1;
	_ =	strace $0x80000046;
	[dreg:$0x1] =	wrdreg $0xFFFFFFFF  }
0xa8: {  	s28 =	simm.s32 $_size_execute0_lowered;
	s4 =	sadd.s32 s4, s6;
	[dreg:$0x0] =	wrdreg $0x0  }
0xa9: {  	s6 =	sshll.u32 s28, $0x1;
	[dreg:$0x2] =	wrdreg s4  }
0xaa: {  	[dreg:$0x3] =	wrdreg s6  }
0xab: {  	[dreg:$0x4] =	wrdreg $0xC0  }
0xac: {  	_ =	task [dreg:s8], $0x5FFFF  }
0xad: {  	[dreg:$0x1] =	wrdreg $0xFFFFFFFF  }
0xae: {  	[dreg:$0x0] =	wrdreg $0x60  }
0xaf: {  	[dreg:$0x2] =	wrdreg s2  }
0xb0: {  	[dreg:$0x3] =	wrdreg s18  }
0xb1: {  	[dreg:$0x4] =	wrdreg s24  }
0xb2: {  	[dreg:$0x5] =	wrdreg $0x0  }
0xb3: {  	[dreg:$0x6] =	wrdreg $0x9  }
0xb4: {  	_ =	task.clear_ibuf [dreg:s8], $0x7FFFF;
	_ =	strace $0x90000046  }
0xb5: {  	s29 =	simm.s32 $0x9;
	_ =	strace $0x80000048  }
0xb6: {  	_ =	swait.ge [sflag:s29], $0x1  }
0xb7: {  	[sflag:s29] =	ssyncadd.s32 $0xFFFFFFFF  }
0xb8: {  	_ =	strace $0x90000048  }
0xb9: {  	_ =	sfence  }
0xba: {  	s30 =	sld [smem:$0x0];
	_ =	sdelay $0x2  }
0xbb: {  	s31 =	sshll.u32 s1, $0xD;
	s1 =	sshrl.u32 s1, $0x2  }
0xbc: {  	s3 =	sand.u32 $0x4000, s31;
	s1 =	sadd.s32 s1, s30  }
0xbd: {  	s0 =	sor.u32 s3, s0;
	s1 =	sshll.u32 s1, $0x11  }
0xbe: {  	s0 =	sor.u32 s1, s0  }
0xbf: {  	s0 =	sadd.s32 $0x8F2B, s0  }
0xc0: {  	[sflag:s0] =	ssyncadd.remote.s32 $0x1  }
0xc1: {  	_ =	sfence.sel $0xFFFF  }
0xc2: {  	[dreg:$0x0] =	wrdreg $0xFFFFFFFF;
	(pc) =	sbr.abs _section_cstart, $3  }
0xc3: {  	[dreg:$0x1] =	wrdreg $0xFFFFFFFF  }
0xc4: {  	_ =	task.clear_ibuf [dreg:s8], $0x2FFFF;
	_ =	strace $0x9FFFFFFF  }
0xc5: {  	(tm) =	ssettm $0x7FFFFFFF  }
tec
execute0_lowered:
.L_overlay_start_1:
0x0: {  	(tag) =	ssettag $0x1  }
0x1: {  	s1 =	rddreg [dreg:$0x0]  }
0x2: {  	s2 =	rddreg [dreg:$0x1]  }
0x3: {  	s0 =	rddreg [dreg:$0x2]  }
0x4: {  	s3 =	rddreg [dreg:$0x3]  }
0x5: {  	s4 =	simm.s32 $0x0;
	s5 =	srdreg.scid;
	s8 =	stileid.u32  }
0x6: {  	s28 =	simm.s32 $0x13B00;
	s29 =	simm.s32 $0x1;
	s30 =	simm.s32 $0x80  }
0x7: {  	s31 =	simm.s32 $0x13B80;
	[smem:$0x7FF] =	sst s4;
	s6 =	sadd.s32 $0x400, s0  }
0x8: {  	s5 =	sand.u32 $0x1, s5;
	s7 =	sadd.s32 $0xA400, s0;
	s10 =	smul.u32 $0x4F000, s8  }
0x9: {  	s11 =	sadd.s32 $0x14400, s0;
	s0 =	sadd.s32 $0x16C00, s0;
	s14 =	smul.u32 $0x13C00, s8  }
0xa: {  	p0 =	seq.s32 s8, $0xF;
	_ =	strace $0x80000047;
	s9 =	sshll.u32 s5, $0x4  }
0xb: {  	[dreg:$0x5] =	wrdreg s11;
	s18 =	ssub.s32 $0x2, s5;
	s5 =	smul.u32 $0x138800, s5  }
0xc: {  	s9 =	sor.u32 s8, s9;
	s12 =	sshrl.u32 s18, $0x1;
	s10 =	sshrl.u32 s10, $0x2  }
0xd: {  	s9 =	smul.u32 $0x2800, s9;
	s11 =	ssub.s32 s18, s12;
	s10 =	sadd.s32 s10, s3  }
0xe: {  	s24 =	sadd.s32 s14, s5;
	s5 =	sshrl.u32 s5, $0x3;
	[dreg:$0x6] =	wrdreg s10  }
0xf: {  	s10 =	sadd.s32 $0x128400, s3;
	s26 =	smax.u32 s11, $0x1;
	s11 =	simm.s32 $0x0  }
0x10: {  	s19 =	sshrl.u32 s9, $0x3;
	s16 =	sor.u32 $0x100, s9;
	s17 =	sor.u32 $0x180, s9  }
0x11: {  	[dreg:$0xf] =	wrdreg s26;
	s26 =	simm.s32 $0x13A00;
	s13 =	sadd.s32 s2, s19  }
0x12: {  	s9 =	simm.s32 $0x3;
	s15 =	sadd.s32 s6, s19;
	[dreg:$0x7] =	wrdreg s13  }
0x13: {  	s20 =	sor.u32 $0x10, s19;
	s12 =	sadd.s32 s7, s19;
	[dreg:$0x8] =	wrdreg s15  }
0x14: {  	[dreg:$0x9] =	wrdreg s12;
	s21 =	sadd.s32 s2, s20;
	s22 =	sadd.s32 s6, s20  }
0x15: {  	s23 =	sadd.s32 s7, s20;
	s12 =	sshrl.u32 s24, $0x3;
	[dreg:$0xa] =	wrdreg s21  }
.Ltmp0:
0x16: {  	s24 =	simm.s32 $0x13A80;
	[dreg:$0xb] =	wrdreg s22;
	(pc) =	sbr.rel .LBB2_1-.Ltmp0, $4  }
0x17: {  	[dreg:$0xc] =	wrdreg s23;
	s25 =	sadd.s32 s0, s12;
	s0 =	sadd.s32 s0, s5  }
0x18: {  	s21 =	sshrl.u32 @p0 s10, $0x3;
	s23 =	simm.s32 $0x13980;
	s5 =	simm.s32 $0x17B80  }
0x19: {  	s10 =	simm.s32 $0x5;
	[dreg:$0xd] =	wrdreg s25;
	s0 =	sadd.s32 $0x25080, s0  }
0x1a: {  	s25 =	simm.s32 $0x13900;
	[dreg:$0xe] =	wrdreg s0;
	s0 =	simm.s32 $0x2  }
.LBB2_8:
0x1b: {  	[bflag:$0x0] =	sbarrier.arrive $0xFFFF  }
0x1c: {  	s8 =	simm.s32 @p0 $0x1FC5;
	s14 =	rddreg [dreg:$0xe]  }
0x1d: {  	[hbm:s14], [sflag:s8] =	dma.local @p0 [spmem:s21], $0x2080  }
0x1e: {  	s8 =	simm.s32 @p0 $0x5  }
0x1f: {  	_ =	swait.ge @p0 [sflag:s8], $0x2080  }
0x20: {  	[sflag:s8] =	ssyncset.done @p0 $0x0  }
0x21: {  	[sflag:s8] =	ssyncadd.s32 @p0 $0xFFFFDF80;
	s8 =	rddreg [dreg:$0xd]  }
0x22: {  	[hbm:s8], [sflag:s12] =	dma.local @!p0 [spmem:s13], $0x2780  }
0x23: {  	s8 =	simm.s32 @!p0 $0x5  }
0x24: {  	_ =	swait.ge @!p0 [sflag:s8], $0x2780  }
0x25: {  	s11 =	sadd.s32 $0x1, s11;
	s22 =	rddreg [dreg:$0xf]  }
0x26: {  	p1 =	sne.s32 s11, s22  }
.Ltmp1:
0x27: {  	_ = 	snop;
	(pc) =	sbr.rel @!p1 .LBB2_9-.Ltmp1, $3  }
0x28: {  	_ =	sdelay $0x1  }
0x29: {  	[sflag:s8] =	ssyncset.done @!p0 $0x0  }
0x2a: {  	[sflag:s8] =	ssyncadd.s32 @!p0 $0xFFFFD880  }
.LBB2_1:
0x2b: {  	s12 =	simm.s32 @p0 $0x1FC5;
	s14 =	rddreg [dreg:$0x5]  }
0x2c: {  	[spmem:s21], [sflag:s12] =	dma.local @p0 [hbm:s14], $0x2080  }
0x2d: {  	s12 =	simm.s32 @p0 $0x5  }
0x2e: {  	s8 =	stileid.u32;
	_ =	swait.ge @p0 [sflag:s12], $0x2080  }
0x2f: {  	s13 =	sshll.u32 @!p0 s8, $0x6;
	[sflag:s12] =	ssyncset.done @p0 $0x0;
	s8 =	rddreg [dreg:$0x6]  }
0x30: {  	[sflag:s12] =	ssyncadd.s32 @p0 $0xFFFFDF80;
	s12 =	sor.u32 @!p0 $0x1C05, s13;
	s13 =	sshrl.u32 @!p0 s8, $0x3  }
0x31: {  	[spmem:s13], [sflag:s12] =	dma.local @!p0 [hbm:s14], $0x2780  }
0x32: {  	s14 =	simm.s32 @!p0 $0x5  }
0x33: {  	_ =	swait.ge @!p0 [sflag:s14], $0x2780  }
0x34: {  	[sflag:s14] =	ssyncset.done @!p0 $0x0  }
0x35: {  	[sflag:s14] =	ssyncadd.s32 @!p0 $0xFFFFD880  }
0x36: {  	[bflag:$0x0] =	sbarrier.arrive $0xFFFF  }
0x37: {  	s14 =	simm.s32 $0x13880;
	s22 =	rddreg [dreg:$0x7]  }
0x38: {  	[tilespmem:s14], [sflag:$0x1] =	stream.linear.gather [hbm4b:s22+s4], $0x80, $0x38;
	[tilespmem:$0x1BB80] =	vst v63  }
0x39: {  	s15 =	rddreg [dreg:$0x8]  }
0x3a: {  	[tilespmem:s23], [sflag:$0x1] =	stream.linear.gather [hbm4b:s15+s4], $0x80, $0x38;
	[tilespmem:$0x1BB80] =	vst v63  }
0x3b: {  	s18 =	rddreg [dreg:$0x9]  }
0x3c: {  	[tilespmem:s24], [sflag:$0x1] =	stream.linear.gather [hbm4b:s18+s4], $0x80, $0x38;
	[tilespmem:$0x1BB80] =	vst v63  }
0x3d: {  	s19 =	rddreg [dreg:$0xa]  }
0x3e: {  	[tilespmem:s25], [sflag:$0x2] =	stream.linear.gather [hbm4b:s19+s4], $0x80, $0x38;
	[tilespmem:$0x1BB80] =	vst v63  }
0x3f: {  	s20 =	rddreg [dreg:$0xb]  }
0x40: {  	[tilespmem:s26], [sflag:$0x2] =	stream.linear.gather [hbm4b:s20+s4], $0x80, $0x38;
	[tilespmem:$0x1BB80] =	vst v63  }
0x41: {  	s22 =	rddreg [dreg:$0xc]  }
0x42: {  	[tilespmem:s28], [sflag:$0x2] =	stream.linear.gather [hbm4b:s22+s4], $0x80, $0x38;
	[tilespmem:$0x1BB80] =	vst v63  }
0x43: {  	_ =	swait.ge [sflag:s29], $0x80  }
0x44: {  	[sflag:s29] =	ssyncset.done $0x0  }
0x45: {  	[sflag:s29] =	ssyncadd.s32 $0xFFFFFF80  }
0x46: {  	_ =	swait.ge [sflag:s29], $0x80  }
0x47: {  	[sflag:s29] =	ssyncset.done $0x0  }
0x48: {  	[sflag:s29] =	ssyncadd.s32 $0xFFFFFF80  }
0x49: {  	_ =	swait.ge [sflag:s29], $0x80  }
0x4a: {  	[sflag:s29] =	ssyncset.done $0x0  }
0x4b: {  	[sflag:s29] =	ssyncadd.s32 $0xFFFFFF80  }
0x4c: {  	[tilespmem:s31], [sflag:$0x3] =	stream.indirect.gather [hbm4b:s1+s30], $0x80, s14, s30, $0xb8;
	[tilespmem:$0x1BB80] =	vst v63  }
0x4d: {  	s14 =	simm.s32 $0x0  }
.LBB2_2:
0x4e: {  	_ =	swait.ge [sflag:s0], $0x80  }
0x4f: {  	[sflag:s0] =	ssyncset.done $0x0  }
0x50: {  	[sflag:s0] =	ssyncadd.s32 $0xFFFFFF80  }
0x51: {  	_ =	swait.ge [sflag:s0], $0x80  }
0x52: {  	[sflag:s0] =	ssyncset.done $0x0  }
0x53: {  	[sflag:s0] =	ssyncadd.s32 $0xFFFFFF80  }
0x54: {  	_ =	swait.ge [sflag:s0], $0x80  }
0x55: {  	[sflag:s0] =	ssyncset.done $0x0  }
0x56: {  	[sflag:s0] =	ssyncadd.s32 $0xFFFFFF80  }
0x57: {  	[tilespmem:s5], [sflag:$0x4] =	stream.indirect.gather [hbm4b:s1+s30], $0x80, s25, s30, $0xb8;
	[tilespmem:$0x1BB80] =	vst v63  }
0x58: {  	s15 =	simm.s32 $0x0;
	_ =	swait.ge [sflag:s9], $0x4000  }
0x59: {  	v0 =	vmov s15;
	[sflag:s9] =	ssyncset.done $0x0  }
0x5a: {  	s15 =	simm.s32 $0x13BC0;
	[sflag:s9] =	ssyncadd.s32 $0xFFFFC000  }
0x5b: {  	v4 =	vld [tilespmem:s15+$0x30]  }
0x5c: {  	v7 =	vld [tilespmem:s15+$0x10]  }
0x5d: {  	v5 =	vld [tilespmem:s15+$0xFFFFFFC0]  }
0x5e: {  	v1 =	vld.idx.msk [tilespmem:v0+s24+$0x0], $0xffff  }
0x5f: {  	v9 =	vld [tilespmem:s15+$0xFFFFFFE0]  }
0x60: {  	v0 =	vld [tilespmem:s15+$0xFFFFFFF0]  }
0x61: {  	v2 =	vld [tilespmem:s15+$0x20]  }
0x62: {  	v3 =	vld [tilespmem:s15+$0xFFFFFFD0]  }
0x63: {  	v8 =	vmul.f32 v4, v1;
	v4 =	vld [tilespmem:s15+$0x0]  }
0x64: {  	v6 =	vmul.f32 v5, v1  }
0x65: {  	s18 =	simm.s32 $0x1;
	s22 =	simm.s32 $0x13BC0;
	v5 =	vmul.f32 v9, v1;
	v7 =	vmul.f32 v7, v1  }
.LBB2_3:
0x66: {  	p1 =	sne.s32 s18, $0x7F  }
0x67: {  	v3 =	vmul.f32 v3, v1;
	v2 =	vmul.f32 v2, v1;
	[tilespmem:s15+$0x30] =	vst v8;
	s22 =	sadd.s32 $0x80, s22;
	s19 =	smov.u32 s18;
	s18 =	sadd.s32 $0x1, s18  }
0x68: {  	[tilespmem:s15+$0xFFFFFFC0] =	vst v6;
	v6 =	vmul.f32 v0, v1;
	v1 =	vmul.f32 v4, v1  }
0x69: {  	[tilespmem:s15+$0x10] =	vst v7  }
0x6a: {  	v4 =	vmov s19;
	[tilespmem:s15+$0xFFFFFFE0] =	vst v5  }
0x6b: {  	v0 =	vld [tilespmem:s22+$0xFFFFFFF0];
	[tilespmem:s15+$0xFFFFFFF0] =	vst v6  }
0x6c: {  	v5 =	vld [tilespmem:s22+$0x30];
	[tilespmem:s15+$0x0] =	vst v1  }
0x6d: {  	v7 =	vld [tilespmem:s22+$0x10];
	[tilespmem:s15+$0x20] =	vst v2  }
0x6e: {  	v6 =	vld [tilespmem:s22+$0xFFFFFFC0];
	[tilespmem:s15+$0xFFFFFFD0] =	vst v3;
	s15 =	smov.u32 s22  }
0x6f: {  	v1 =	vld.idx.msk [tilespmem:v4+s24+$0x0], $0xffff  }
0x70: {  	v9 =	vld [tilespmem:s22+$0xFFFFFFE0]  }
0x71: {  	v2 =	vld [tilespmem:s22+$0x20]  }
.Ltmp2:
0x72: {  	v3 =	vld [tilespmem:s22+$0xFFFFFFD0];
	(pc) =	sbr.rel @p1 .LBB2_3-.Ltmp2, $3  }
0x73: {  	v4 =	vld [tilespmem:s22+$0x0];
	_ =	sdelay $0x1  }
0x74: {  	v6 =	vmul.f32 v6, v1;
	v8 =	vmul.f32 v5, v1  }
0x75: {  	v7 =	vmul.f32 v7, v1;
	v5 =	vmul.f32 v9, v1  }
0x76: {  	[tilespmem:s15+$0x30] =	vst v8  }
0x77: {  	[tilespmem:s15+$0xFFFFFFC0] =	vst v6  }
0x78: {  	v0 =	vmul.f32 v0, v1;
	[tilespmem:s15+$0x10] =	vst v7  }
0x79: {  	v2 =	vmul.f32 v2, v1;
	[tilespmem:s15+$0xFFFFFFE0] =	vst v5  }
0x7a: {  	v4 =	vmul.f32 v4, v1;
	[tilespmem:s15+$0xFFFFFFF0] =	vst v0  }
0x7b: {  	v0 =	vmul.f32 v3, v1;
	[tilespmem:s15+$0x20] =	vst v2  }
0x7c: {  	[tilespmem:s15+$0x0] =	vst v4  }
0x7d: {  	[tilespmem:s15+$0xFFFFFFD0] =	vst v0  }
0x7e: {  	[spmem:s3] =	stream.indirect.scatter.add.f32 [tilespmem:s31], [sflag:$0x5], $0x80, s23, s30, $0xb8;
	[tilespmem:$0x1BB80] =	vst v63  }
0x7f: {  	_ =	swait.ge [sflag:s10], $0x4000  }
0x80: {  	p1 =	seq.s32 s14, $0x27;
	[sflag:s10] =	ssyncset.done $0x0  }
0x81: {  	s18 =	simm.s32 @p1 $0x4;
	[sflag:s10] =	ssyncadd.s32 $0xFFFFC000  }
0x82: {  	s15 =	sshll.u32 s14, $0x8;
	_ =	swait.ge @p1 [sflag:s18], $0x4000  }
0x83: {  	s19 =	sadd.s32 @!p1 s15, s16;
	[sflag:s18] =	ssyncset.done @p1 $0x0  }
0x84: {  	[sflag:s18] =	ssyncadd.s32 @p1 $0xFFFFC000;
	s18 =	sshrl.u32 @!p1 s19, $0x3  }
0x85: {  	s22 =	simm.s32 @!p1 $0x0;
	s20 =	simm.s32 @!p1 $0x13880;
	s19 =	sadd.s32 @!p1 s2, s18  }
0x86: {  	[tilespmem:s20], [sflag:$0x1] =	stream.linear.gather @!p1 [hbm4b:s19+s22], $0x80, $0x38;
	[tilespmem:$0x1BB80] =	vst v63  }
0x87: {  	s8 =	simm.s32 @!p1 $0x13980;
	s19 =	sadd.s32 @!p1 s6, s18  }
0x88: {  	[tilespmem:s8], [sflag:$0x1] =	stream.linear.gather @!p1 [hbm4b:s19+s22], $0x80, $0x38;
	[tilespmem:$0x1BB80] =	vst v63  }
0x89: {  	s8 =	sadd.s32 @!p1 s7, s18;
	s18 =	simm.s32 @!p1 $0x13A80  }
0x8a: {  	[tilespmem:s18], [sflag:$0x1] =	stream.linear.gather @!p1 [hbm4b:s8+s22], $0x80, $0x38;
	[tilespmem:$0x1BB80] =	vst v63  }
0x8b: {  	s8 =	simm.s32 @!p1 $0x4  }
0x8c: {  	_ =	swait.ge @!p1 [sflag:s8], $0x4000  }
0x8d: {  	[sflag:s8] =	ssyncset.done @!p1 $0x0  }
0x8e: {  	[sflag:s8] =	ssyncadd.s32 @!p1 $0xFFFFC000;
	s8 =	simm.s32 @!p1 $0x1  }
0x8f: {  	_ =	swait.ge @!p1 [sflag:s8], $0x80  }
0x90: {  	[sflag:s8] =	ssyncset.done @!p1 $0x0  }
0x91: {  	[sflag:s8] =	ssyncadd.s32 @!p1 $0xFFFFFF80  }
0x92: {  	_ =	swait.ge @!p1 [sflag:s8], $0x80  }
0x93: {  	[sflag:s8] =	ssyncset.done @!p1 $0x0  }
0x94: {  	[sflag:s8] =	ssyncadd.s32 @!p1 $0xFFFFFF80  }
0x95: {  	_ =	swait.ge @!p1 [sflag:s8], $0x80  }
0x96: {  	s18 =	simm.s32 @!p1 $0x13B80;
	[sflag:s8] =	ssyncset.done @!p1 $0x0  }
0x97: {  	s22 =	simm.s32 $0x0;
	[sflag:s8] =	ssyncadd.s32 @!p1 $0xFFFFFF80;
	s8 =	simm.s32 @!p1 $0x80  }
0x98: {  	v0 =	vmov s22;
	[tilespmem:s18], [sflag:$0x3] =	stream.indirect.gather @!p1 [hbm4b:s1+s8], $0x80, s20, s8, $0xb8;
	[tilespmem:$0x1BB80] =	vst v63  }
0x99: {  	s18 =	simm.s32 $0x17BC0  }
0x9a: {  	v4 =	vld [tilespmem:s18+$0x30]  }
0x9b: {  	v7 =	vld [tilespmem:s18+$0x10]  }
0x9c: {  	v5 =	vld [tilespmem:s18+$0xFFFFFFC0]  }
0x9d: {  	v1 =	vld.idx.msk [tilespmem:v0+s28+$0x0], $0xffff  }
0x9e: {  	v9 =	vld [tilespmem:s18+$0xFFFFFFE0]  }
0x9f: {  	v0 =	vld [tilespmem:s18+$0xFFFFFFF0]  }
0xa0: {  	v2 =	vld [tilespmem:s18+$0x20]  }
0xa1: {  	v3 =	vld [tilespmem:s18+$0xFFFFFFD0]  }
0xa2: {  	v8 =	vmul.f32 v4, v1;
	v4 =	vld [tilespmem:s18+$0x0]  }
0xa3: {  	v6 =	vmul.f32 v5, v1  }
0xa4: {  	s19 =	simm.s32 $0x17BC0;
	s22 =	simm.s32 $0x1;
	v5 =	vmul.f32 v9, v1;
	v7 =	vmul.f32 v7, v1  }
.LBB2_5:
0xa5: {  	p2 =	sne.s32 s22, $0x7F  }
0xa6: {  	v3 =	vmul.f32 v3, v1;
	v2 =	vmul.f32 v2, v1;
	[tilespmem:s18+$0x30] =	vst v8;
	s19 =	sadd.s32 $0x80, s19;
	s8 =	smov.u32 s22;
	s22 =	sadd.s32 $0x1, s22  }
0xa7: {  	[tilespmem:s18+$0xFFFFFFC0] =	vst v6;
	v6 =	vmul.f32 v0, v1;
	v1 =	vmul.f32 v4, v1  }
0xa8: {  	[tilespmem:s18+$0x10] =	vst v7  }
0xa9: {  	v4 =	vmov s8;
	[tilespmem:s18+$0xFFFFFFE0] =	vst v5  }
0xaa: {  	v0 =	vld [tilespmem:s19+$0xFFFFFFF0];
	[tilespmem:s18+$0xFFFFFFF0] =	vst v6  }
0xab: {  	v5 =	vld [tilespmem:s19+$0x30];
	[tilespmem:s18+$0x0] =	vst v1  }
0xac: {  	v7 =	vld [tilespmem:s19+$0x10];
	[tilespmem:s18+$0x20] =	vst v2  }
0xad: {  	v6 =	vld [tilespmem:s19+$0xFFFFFFC0];
	[tilespmem:s18+$0xFFFFFFD0] =	vst v3;
	s18 =	smov.u32 s19  }
0xae: {  	v1 =	vld.idx.msk [tilespmem:v4+s28+$0x0], $0xffff  }
0xaf: {  	v9 =	vld [tilespmem:s19+$0xFFFFFFE0]  }
0xb0: {  	v2 =	vld [tilespmem:s19+$0x20]  }
.Ltmp3:
0xb1: {  	v3 =	vld [tilespmem:s19+$0xFFFFFFD0];
	(pc) =	sbr.rel @p2 .LBB2_5-.Ltmp3, $3  }
0xb2: {  	v4 =	vld [tilespmem:s19+$0x0];
	_ =	sdelay $0x1  }
0xb3: {  	v6 =	vmul.f32 v6, v1;
	v8 =	vmul.f32 v5, v1  }
0xb4: {  	v7 =	vmul.f32 v7, v1;
	v5 =	vmul.f32 v9, v1  }
0xb5: {  	[tilespmem:s18+$0x30] =	vst v8  }
0xb6: {  	[tilespmem:s18+$0xFFFFFFC0] =	vst v6  }
0xb7: {  	v0 =	vmul.f32 v0, v1;
	[tilespmem:s18+$0x10] =	vst v7  }
0xb8: {  	v2 =	vmul.f32 v2, v1;
	[tilespmem:s18+$0xFFFFFFE0] =	vst v5  }
0xb9: {  	v63 =	vmul.f32 v3, v1;
	[tilespmem:s18+$0xFFFFFFF0] =	vst v0  }
0xba: {  	v4 =	vmul.f32 v4, v1;
	[tilespmem:s18+$0x20] =	vst v2  }
0xbb: {  	[tilespmem:s18+$0xFFFFFFD0] =	vst v63  }
.Ltmp4:
0xbc: {  	[tilespmem:s18+$0x0] =	vst v4;
	(pc) =	sbr.rel @p1 .LBB2_8-.Ltmp4, $4  }
0xbd: {  	[spmem:s3] =	stream.indirect.scatter.add.f32 [tilespmem:s5], [sflag:$0x5], $0x80, s26, s30, $0xb8;
	[tilespmem:$0x1BB80] =	vst v63  }
0xbe: {  	_ =	swait.ge [sflag:s10], $0x4000  }
0xbf: {  	[sflag:s10] =	ssyncset.done $0x0  }
0xc0: {  	[sflag:s10] =	ssyncadd.s32 $0xFFFFC000  }
0xc1: {  	s8 =	sadd.s32 s15, s17  }
0xc2: {  	s8 =	sshrl.u32 s8, $0x3  }
0xc3: {  	s20 =	sadd.s32 s2, s8  }
0xc4: {  	[tilespmem:s25], [sflag:$0x2] =	stream.linear.gather [hbm4b:s20+s4], $0x80, $0x38;
	[tilespmem:$0x1BB80] =	vst v63  }
.Ltmp5:
0xc5: {  	_ = 	snop;
	(pc) =	sbr.rel .LBB2_2-.Ltmp5, $4  }
0xc6: {  	s22 =	sadd.s32 s6, s8  }
0xc7: {  	[tilespmem:s26], [sflag:$0x2] =	stream.linear.gather [hbm4b:s22+s4], $0x80, $0x38;
	[tilespmem:$0x1BB80] =	vst v63  }
0xc8: {  	s14 =	sadd.s32 $0x1, s14;
	s8 =	sadd.s32 s7, s8  }
0xc9: {  	[tilespmem:s28], [sflag:$0x2] =	stream.linear.gather [hbm4b:s8+s4], $0x80, $0x38;
	[tilespmem:$0x1BB80] =	vst v63  }
.LBB2_9:
0xca: {  	_ =	sfence.sel $0x180000  }
0xcb: {  	[bflag:$0x0] =	sbarrier.arrive $0xFFFF  }
0xcc: {  	_ =	strace $0x90000047  }
0xcd: {  	s0 =	stileid.u32;
	[bflag:$0x2] =	sbarrier.arrive $0xFFFF  }
0xce: {  	p0 =	sne.s32 s0, $0x0;
	s0 =	rddreg [dreg:$0x4]  }
0xcf: {  	s0 =	sadd.s32 @!p0 $0x100000, s0  }
0xd0: {  	[sflag:s0] =	ssyncadd.tile.s32 @!p0 $0x1;
	_ =	shalt  }
.Lfunc_end2:
_tile_overlayer_lowered:
.L_overlay_start_2:
0xd1: {  	(tag) =	ssettag $0x2  }
0xd2: {  	s0 =	rddreg [dreg:$0x0];
	s2 =	stileid.u32  }
0xd3: {  	s1 =	rddreg [dreg:$0x1];
	p0 =	sne.s32 s2, $0x0  }
0xd4: {  	s3 =	rddreg [dreg:$0x2];
	[bflag:$0x3] =	sbarrier.arrive $0xFFFF;
	s2 =	simm.s32 @!p0 $0x1C05  }
0xd5: {  	[timem:s3], [sflag:s2] =	dma.local @!p0 [hbm:s0], s1  }
0xd6: {  	s0 =	simm.s32 @!p0 $0x5  }
0xd7: {  	_ =	swait.ge @!p0 [sflag:s0], s1  }
0xd8: {  	s1 =	ssub.s32 @!p0 $0x0, s1;
	[sflag:s0] =	ssyncset.done @!p0 $0x0  }
0xd9: {  	[sflag:s0] =	ssyncadd.s32 @!p0 s1  }
0xda: {  	[bflag:$0x3] =	sbarrier.arrive $0xFFFF  }
0xdb: {  	_ =	shalt  }

</sc_bundles>
